<compile_context>
chip_gen: v7x
topology: tpu7x:2x2x1
jax: 0.10.2.dev20260603
libtpu: 0.0.44.dev20260713+nightly
codegen_flags: <defaults>
</compile_context>

<pallas_src>
import jax
import jax.numpy as jnp
from jax import lax
from jax.experimental import pallas as pl
from jax.experimental.pallas import tpu as pltpu
from jax.experimental.pallas import tpu_sc as plsc

_B, _T, _H, _W, _D = 8, 8, 14, 14, 768
_HW = _H * _W
_L = _T * _HW
_EPS = 1e-06
_NC, _NS = 2, 16
_NWORK = _NC * _NS
_RPW = _L // _NWORK
_CH = _RPW * _D


def _pos_kernel(te_ref, ve_ref, he_ref, g_ref, b_ref, o_ref):
    def onehot(idx_fn, n):
        row = lax.broadcasted_iota(jnp.int32, (_L, n), 0)
        col = lax.broadcasted_iota(jnp.int32, (_L, n), 1)
        return (idx_fn(row) == col).astype(jnp.float32)

    pos = (
        lax.dot(onehot(lambda r: r // _HW, _T), te_ref[:],
                preferred_element_type=jnp.float32)
        + lax.dot(onehot(lambda r: (r // _W) % _H, _H), ve_ref[:],
                  preferred_element_type=jnp.float32)
        + lax.dot(onehot(lambda r: r % _W, _W), he_ref[:],
                  preferred_element_type=jnp.float32)
    )
    mean = jnp.mean(pos, axis=-1, keepdims=True)
    c = pos - mean
    var = jnp.mean(c * c, axis=-1, keepdims=True)
    o_ref[:] = c * lax.rsqrt(var + _EPS) * g_ref[:] + b_ref[:]


def _sc_add_kernel(x_ref, pos_ref, o_ref, pos_v, xa, xb,
                   sa_in, sb_in, sa_out, sb_out):
    c = lax.axis_index("c")
    s = lax.axis_index("s")
    w = s * _NC + c
    base = w * _CH

    pltpu.sync_copy(pos_ref.at[pl.ds(base, _CH)], pos_v)

    bufs = (xa, xb)
    sins = (sa_in, sb_in)
    souts = (sa_out, sb_out)
    in_h = [None, None]
    out_h = [None, None]
    in_h[0] = pltpu.async_copy(x_ref.at[0, pl.ds(base, _CH)], xa, sa_in)
    for b in range(_B):
        cur = b & 1
        nxt = cur ^ 1
        if b + 1 < _B:
            if out_h[nxt] is not None:
                out_h[nxt].wait()
            in_h[nxt] = pltpu.async_copy(
                x_ref.at[b + 1, pl.ds(base, _CH)], bufs[nxt], sins[nxt])
        in_h[cur].wait()
        buf = bufs[cur]

        @plsc.parallel_loop(0, _CH, step=16, unroll=8)
        def _add(i):
            plsc.addupdate(buf.at[pl.ds(i, 16)], pos_v[pl.ds(i, 16)])

        out_h[cur] = pltpu.async_copy(
            buf, o_ref.at[b, pl.ds(base, _CH)], souts[cur])
    out_h[0].wait()
    out_h[1].wait()


def kernel(inputs, temporal_emb, vertical_emb, horizontal_emb, gamma, beta,
           dimensions):
    pos_ln = pl.pallas_call(
        _pos_kernel,
        out_shape=jax.ShapeDtypeStruct((_L, _D), jnp.float32),
    )(temporal_emb, vertical_emb, horizontal_emb,
      gamma.reshape(1, _D), beta.reshape(1, _D))

    x2 = inputs.reshape(_B, _L * _D)
    sc_add = pl.kernel(
        _sc_add_kernel,
        out_type=jax.ShapeDtypeStruct((_B, _L * _D), jnp.float32),
        mesh=plsc.VectorSubcoreMesh(core_axis_name="c", subcore_axis_name="s"),
        compiler_params=pltpu.CompilerParams(use_tc_tiling_on_sc=True),
        scratch_types=[
            pltpu.VMEM((_CH,), jnp.float32),
            pltpu.VMEM((_CH,), jnp.float32),
            pltpu.VMEM((_CH,), jnp.float32),
            pltpu.SemaphoreType.DMA,
            pltpu.SemaphoreType.DMA,
            pltpu.SemaphoreType.DMA,
            pltpu.SemaphoreType.DMA,
        ],
    )
    out2 = sc_add(x2, pos_ln.reshape(_L * _D))
    return out2.reshape(_B, _L, _D)

# --- scband reference (transcript-rebuilt; emitter-appended) ---
"""Pipeline reference for scband-spatio-temporal-embeddings-79319456023328 (READ-ONLY COPY).

The authoritative reference and input builder live on the scoring server;
editing this copy changes nothing except your own understanding.
"""

import jax, jax.numpy as jnp
import numpy as np

B, T, H, W, D = 8, 8, 14, 14, 768
L = T * H * W
EPS = 1e-06


def setup_inputs(seed: int = 0) -> dict:
    key = jax.random.key(seed)
    ks = jax.random.split(key, 5)
    std = 0.02
    inputs = jax.random.normal(ks[0], (B, L, D), dtype=jnp.float32)
    temporal_emb = jax.random.normal(ks[1], (T, D), dtype=jnp.float32) * std
    vertical_emb = jax.random.normal(ks[2], (H, D), dtype=jnp.float32) * std
    horizontal_emb = jax.random.normal(ks[3], (W, D), dtype=jnp.float32) * std
    gamma = jnp.ones((D,), dtype=jnp.float32)
    beta = jnp.zeros((D,), dtype=jnp.float32)
    dimensions = jnp.array([B, T, H, W, D], dtype=jnp.int32)
    return {
        'inputs': inputs,
        'temporal_emb': temporal_emb,
        'vertical_emb': vertical_emb,
        'horizontal_emb': horizontal_emb,
        'gamma': gamma,
        'beta': beta,
        'dimensions': dimensions,
    }


def _build_vid_pos_ids(t, h, w):
    temporal_ids = jnp.broadcast_to(jnp.arange(t)[:, None, None], (t, h, w))
    vertical_ids = jnp.broadcast_to(jnp.arange(h)[None, :, None], (t, h, w))
    horizontal_ids = jnp.broadcast_to(jnp.arange(w)[None, None, :], (t, h, w))
    pos_ids = jnp.stack([temporal_ids, vertical_ids, horizontal_ids], axis=3)
    return pos_ids.reshape(-1, 3)


def reference(inputs, temporal_emb, vertical_emb, horizontal_emb, gamma, beta, dimensions):
    # dimensions = [B, T, H, W, D]; t==max_temporal_buckets etc., so no spline
    # interpolation path is taken (target_buckets == ref_buckets).
    t, h, w = T, H, W  # static shapes (must be python ints under jit)
    pos_ids = _build_vid_pos_ids(t, h, w)  # [L, 3]
    te = jnp.take(temporal_emb, pos_ids[:, 0], axis=0)    # [L, D] gather
    ve = jnp.take(vertical_emb, pos_ids[:, 1], axis=0)    # [L, D] gather
    he = jnp.take(horizontal_emb, pos_ids[:, 2], axis=0)  # [L, D] gather
    pos = te + ve + he  # [L, D]
    mean = jnp.mean(pos, axis=-1, keepdims=True)
    var = jnp.mean(jnp.square(pos - mean), axis=-1, keepdims=True)
    pos_ln = (pos - mean) / jnp.sqrt(var + EPS) * gamma + beta
    # dropout is identity at inference (training=False)
    out = inputs + pos_ln[None, :, :]
    return out

if __name__ == "__main__":
    import jax
    _d = setup_inputs()
    print(jax.jit(kernel)(*tuple(_d.values())))

</pallas_src>

<mosaic_0001>
#map = affine_map<(d0, d1) -> (0, 0)>
#map1 = affine_map<(d0, d1) -> (0)>
module attributes {stable_mosaic.version = 14 : i64} {
  func.func @_sc_add_kernel(%arg0: i32, %arg1: i32, %arg2: memref<8x1204224xf32, #tpu.memory_space<hbm>>, %arg3: memref<1204224xf32, #tpu.memory_space<hbm>>, %arg4: memref<8x1204224xf32, #tpu.memory_space<hbm>>, %arg5: memref<37632xf32, #tpu.memory_space<vmem>>, %arg6: memref<37632xf32, #tpu.memory_space<vmem>>, %arg7: memref<37632xf32, #tpu.memory_space<vmem>>, %arg8: memref<!tpu.dma_semaphore, #tpu.memory_space<semaphore_mem>>, %arg9: memref<!tpu.dma_semaphore, #tpu.memory_space<semaphore_mem>>, %arg10: memref<!tpu.dma_semaphore, #tpu.memory_space<semaphore_mem>>, %arg11: memref<!tpu.dma_semaphore, #tpu.memory_space<semaphore_mem>>) attributes {dimension_semantics = [#tpu.dimension_semantics<core_parallel>, #tpu.dimension_semantics<subcore_parallel>], iteration_bounds = array<i64: 2, 16>, scalar_prefetch = 0 : i64, scratch_operands = 7 : i64, tpu.core_type = #tpu.core_type<sc_vector_subcore>, window_params = [{transform_indices = #map}, {transform_indices = #map1}, {transform_indices = #map}]} {
    %mul3A = arith.constant 2 : i32
    %mul3A_0 = arith.muli %arg1, %mul3A : i32
    %add3A = arith.addi %mul3A_0, %arg0 : i32
    %mul3A_1 = arith.constant 37632 : i32
    %mul3A_2 = arith.muli %add3A, %mul3A_1 : i32
    "tpu.region"() ({
      %run_scoped3A = tpu.sem_alloc : memref<!tpu.dma_semaphore, #tpu.memory_space<semaphore_mem>>
      %dma_start3A_184 = tpu.memref_slice %arg3[%mul3A_2] : memref<1204224xf32, #tpu.memory_space<hbm>> -> memref<37632xf32, #tpu.memory_space<hbm>>
      %dma_start3A_185 = tpu.memref_slice %arg3[%mul3A_2] : memref<1204224xf32, #tpu.memory_space<hbm>> -> memref<37632xf32, #tpu.memory_space<hbm>>
      tpu.enqueue_dma source(%dma_start3A_185 : memref<37632xf32, #tpu.memory_space<hbm>>) target(%arg5 : memref<37632xf32, #tpu.memory_space<vmem>>) target_semaphore(%run_scoped3A : memref<!tpu.dma_semaphore, #tpu.memory_space<semaphore_mem>>)
      %dma_wait3A_186 = tpu.memref_slice %arg3[%mul3A_2] : memref<1204224xf32, #tpu.memory_space<hbm>> -> memref<37632xf32, #tpu.memory_space<hbm>>
      %dma_wait3A_187 = tpu.memref_slice %arg3[%mul3A_2] : memref<1204224xf32, #tpu.memory_space<hbm>> -> memref<37632xf32, #tpu.memory_space<hbm>>
      tpu.wait_dma2 semaphore(%run_scoped3A : memref<!tpu.dma_semaphore, #tpu.memory_space<semaphore_mem>>) src(%dma_wait3A_187 : memref<37632xf32, #tpu.memory_space<hbm>>) dst(%arg5 : memref<37632xf32, #tpu.memory_space<vmem>>)
      tpu.yield
    }) : () -> ()
    %dma_start3A = arith.constant 0 : i32
    %dma_start3A_3 = tpu.memref_slice %arg2[%dma_start3A, %mul3A_2] : memref<8x1204224xf32, #tpu.memory_space<hbm>> -> memref<1x37632xf32, #tpu.memory_space<hbm>>
    %dma_start3A_4 = tpu.memref_squeeze %dma_start3A_3 : memref<1x37632xf32, #tpu.memory_space<hbm>> -> memref<37632xf32, #tpu.memory_space<hbm>>
    %dma_start3A_5 = tpu.memref_slice %arg2[%dma_start3A, %mul3A_2] : memref<8x1204224xf32, #tpu.memory_space<hbm>> -> memref<1x37632xf32, #tpu.memory_space<hbm>>
    %dma_start3A_6 = tpu.memref_squeeze %dma_start3A_5 : memref<1x37632xf32, #tpu.memory_space<hbm>> -> memref<37632xf32, #tpu.memory_space<hbm>>
    tpu.enqueue_dma source(%dma_start3A_6 : memref<37632xf32, #tpu.memory_space<hbm>>) target(%arg6 : memref<37632xf32, #tpu.memory_space<vmem>>) target_semaphore(%arg8 : memref<!tpu.dma_semaphore, #tpu.memory_space<semaphore_mem>>)
    %dma_start3A_7 = arith.constant 1 : i32
    %dma_start3A_8 = tpu.memref_slice %arg2[%dma_start3A_7, %mul3A_2] : memref<8x1204224xf32, #tpu.memory_space<hbm>> -> memref<1x37632xf32, #tpu.memory_space<hbm>>
    %dma_start3A_9 = tpu.memref_squeeze %dma_start3A_8 : memref<1x37632xf32, #tpu.memory_space<hbm>> -> memref<37632xf32, #tpu.memory_space<hbm>>
    %dma_start3A_10 = tpu.memref_slice %arg2[%dma_start3A_7, %mul3A_2] : memref<8x1204224xf32, #tpu.memory_space<hbm>> -> memref<1x37632xf32, #tpu.memory_space<hbm>>
    %dma_start3A_11 = tpu.memref_squeeze %dma_start3A_10 : memref<1x37632xf32, #tpu.memory_space<hbm>> -> memref<37632xf32, #tpu.memory_space<hbm>>
    tpu.enqueue_dma source(%dma_start3A_11 : memref<37632xf32, #tpu.memory_space<hbm>>) target(%arg7 : memref<37632xf32, #tpu.memory_space<vmem>>) target_semaphore(%arg9 : memref<!tpu.dma_semaphore, #tpu.memory_space<semaphore_mem>>)
    %dma_wait3A = arith.constant 0 : i32
    %dma_wait3A_12 = tpu.memref_slice %arg2[%dma_wait3A, %mul3A_2] : memref<8x1204224xf32, #tpu.memory_space<hbm>> -> memref<1x37632xf32, #tpu.memory_space<hbm>>
    %dma_wait3A_13 = tpu.memref_squeeze %dma_wait3A_12 : memref<1x37632xf32, #tpu.memory_space<hbm>> -> memref<37632xf32, #tpu.memory_space<hbm>>
    %dma_wait3A_14 = tpu.memref_slice %arg2[%dma_wait3A, %mul3A_2] : memref<8x1204224xf32, #tpu.memory_space<hbm>> -> memref<1x37632xf32, #tpu.memory_space<hbm>>
    %dma_wait3A_15 = tpu.memref_squeeze %dma_wait3A_14 : memref<1x37632xf32, #tpu.memory_space<hbm>> -> memref<37632xf32, #tpu.memory_space<hbm>>
    tpu.wait_dma2 semaphore(%arg8 : memref<!tpu.dma_semaphore, #tpu.memory_space<semaphore_mem>>) src(%dma_wait3A_15 : memref<37632xf32, #tpu.memory_space<hbm>>) dst(%arg6 : memref<37632xf32, #tpu.memory_space<vmem>>)
    %parallel_loop3A = arith.constant 0 : i32
    %parallel_loop3A_16 = arith.constant 37632 : i32
    %parallel_loop3A_17 = arith.constant 16 : i32
    scf.for %parallel_loop3A_184 = %parallel_loop3A to %parallel_loop3A_16 step %parallel_loop3A_17  : i32 {
      %parallel_loop3A_185 = arith.index_cast %parallel_loop3A_184 : i32 to index
      %parallel_loop3A_186 = tpu.vector_load %arg5[%parallel_loop3A_185] {strides = array<i32>} : memref<37632xf32, #tpu.memory_space<vmem>>, vector<16xf32>,
      %parallel_loop3A_187 = vector.shape_cast %parallel_loop3A_186 : vector<16xf32> to vector<16xf32>
      %parallel_loop3A_188 = arith.index_cast %parallel_loop3A_184 : i32 to index
      %parallel_loop3A_189 = tpu.vector_load %arg6[%parallel_loop3A_188] {strides = array<i32>} : memref<37632xf32, #tpu.memory_space<vmem>>, vector<16xf32>,
      %parallel_loop3A_190 = vector.shape_cast %parallel_loop3A_189 : vector<16xf32> to vector<16xf32>
      %parallel_loop3A_191 = vector.shape_cast %parallel_loop3A_187 : vector<16xf32> to vector<16xf32>
      tpu.vector_store %arg6[%parallel_loop3A_188], %parallel_loop3A_191 {add = true, strides = array<i32>} : memref<37632xf32, #tpu.memory_space<vmem>>, vector<16xf32>,
    } {sc.loop_unroll_factor = 8 : i64, sc.parallel_access}
    %dma_start3A_18 = arith.constant 0 : i32
    %dma_start3A_19 = tpu.memref_slice %arg4[%dma_start3A_18, %mul3A_2] : memref<8x1204224xf32, #tpu.memory_space<hbm>> -> memref<1x37632xf32, #tpu.memory_space<hbm>>
    %dma_start3A_20 = tpu.memref_squeeze %dma_start3A_19 : memref<1x37632xf32, #tpu.memory_space<hbm>> -> memref<37632xf32, #tpu.memory_space<hbm>>
    %dma_start3A_21 = tpu.memref_slice %arg4[%dma_start3A_18, %mul3A_2] : memref<8x1204224xf32, #tpu.memory_space<hbm>> -> memref<1x37632xf32, #tpu.memory_space<hbm>>
    %dma_start3A_22 = tpu.memref_squeeze %dma_start3A_21 : memref<1x37632xf32, #tpu.memory_space<hbm>> -> memref<37632xf32, #tpu.memory_space<hbm>>
    tpu.enqueue_dma source(%arg6 : memref<37632xf32, #tpu.memory_space<vmem>>) target(%dma_start3A_22 : memref<37632xf32, #tpu.memory_space<hbm>>) target_semaphore(%arg10 : memref<!tpu.dma_semaphore, #tpu.memory_space<semaphore_mem>>)
    %dma_wait3A_23 = arith.constant 0 : i32
    %dma_wait3A_24 = tpu.memref_slice %arg4[%dma_wait3A_23, %mul3A_2] : memref<8x1204224xf32, #tpu.memory_space<hbm>> -> memref<1x37632xf32, #tpu.memory_space<hbm>>
    %dma_wait3A_25 = tpu.memref_squeeze %dma_wait3A_24 : memref<1x37632xf32, #tpu.memory_space<hbm>> -> memref<37632xf32, #tpu.memory_space<hbm>>
    %dma_wait3A_26 = tpu.memref_slice %arg4[%dma_wait3A_23, %mul3A_2] : memref<8x1204224xf32, #tpu.memory_space<hbm>> -> memref<1x37632xf32, #tpu.memory_space<hbm>>
    %dma_wait3A_27 = tpu.memref_squeeze %dma_wait3A_26 : memref<1x37632xf32, #tpu.memory_space<hbm>> -> memref<37632xf32, #tpu.memory_space<hbm>>
    tpu.wait_dma2 semaphore(%arg10 : memref<!tpu.dma_semaphore, #tpu.memory_space<semaphore_mem>>) src(%arg6 : memref<37632xf32, #tpu.memory_space<vmem>>) dst(%dma_wait3A_27 : memref<37632xf32, #tpu.memory_space<hbm>>)
    %dma_start3A_28 = arith.constant 2 : i32
    %dma_start3A_29 = tpu.memref_slice %arg2[%dma_start3A_28, %mul3A_2] : memref<8x1204224xf32, #tpu.memory_space<hbm>> -> memref<1x37632xf32, #tpu.memory_space<hbm>>
    %dma_start3A_30 = tpu.memref_squeeze %dma_start3A_29 : memref<1x37632xf32, #tpu.memory_space<hbm>> -> memref<37632xf32, #tpu.memory_space<hbm>>
    %dma_start3A_31 = tpu.memref_slice %arg2[%dma_start3A_28, %mul3A_2] : memref<8x1204224xf32, #tpu.memory_space<hbm>> -> memref<1x37632xf32, #tpu.memory_space<hbm>>
    %dma_start3A_32 = tpu.memref_squeeze %dma_start3A_31 : memref<1x37632xf32, #tpu.memory_space<hbm>> -> memref<37632xf32, #tpu.memory_space<hbm>>
    tpu.enqueue_dma source(%dma_start3A_32 : memref<37632xf32, #tpu.memory_space<hbm>>) target(%arg6 : memref<37632xf32, #tpu.memory_space<vmem>>) target_semaphore(%arg8 : memref<!tpu.dma_semaphore, #tpu.memory_space<semaphore_mem>>)
    %dma_wait3A_33 = arith.constant 1 : i32
    %dma_wait3A_34 = tpu.memref_slice %arg2[%dma_wait3A_33, %mul3A_2] : memref<8x1204224xf32, #tpu.memory_space<hbm>> -> memref<1x37632xf32, #tpu.memory_space<hbm>>
    %dma_wait3A_35 = tpu.memref_squeeze %dma_wait3A_34 : memref<1x37632xf32, #tpu.memory_space<hbm>> -> memref<37632xf32, #tpu.memory_space<hbm>>
    %dma_wait3A_36 = tpu.memref_slice %arg2[%dma_wait3A_33, %mul3A_2] : memref<8x1204224xf32, #tpu.memory_space<hbm>> -> memref<1x37632xf32, #tpu.memory_space<hbm>>
    %dma_wait3A_37 = tpu.memref_squeeze %dma_wait3A_36 : memref<1x37632xf32, #tpu.memory_space<hbm>> -> memref<37632xf32, #tpu.memory_space<hbm>>
    tpu.wait_dma2 semaphore(%arg9 : memref<!tpu.dma_semaphore, #tpu.memory_space<semaphore_mem>>) src(%dma_wait3A_37 : memref<37632xf32, #tpu.memory_space<hbm>>) dst(%arg7 : memref<37632xf32, #tpu.memory_space<vmem>>)
    %parallel_loop3A_38 = arith.constant 0 : i32
    %parallel_loop3A_39 = arith.constant 37632 : i32
    %parallel_loop3A_40 = arith.constant 16 : i32
    scf.for %parallel_loop3A_184 = %parallel_loop3A_38 to %parallel_loop3A_39 step %parallel_loop3A_40  : i32 {
      %parallel_loop3A_185 = arith.index_cast %parallel_loop3A_184 : i32 to index
      %parallel_loop3A_186 = tpu.vector_load %arg5[%parallel_loop3A_185] {strides = array<i32>} : memref<37632xf32, #tpu.memory_space<vmem>>, vector<16xf32>,
      %parallel_loop3A_187 = vector.shape_cast %parallel_loop3A_186 : vector<16xf32> to vector<16xf32>
      %parallel_loop3A_188 = arith.index_cast %parallel_loop3A_184 : i32 to index
      %parallel_loop3A_189 = tpu.vector_load %arg7[%parallel_loop3A_188] {strides = array<i32>} : memref<37632xf32, #tpu.memory_space<vmem>>, vector<16xf32>,
      %parallel_loop3A_190 = vector.shape_cast %parallel_loop3A_189 : vector<16xf32> to vector<16xf32>
      %parallel_loop3A_191 = vector.shape_cast %parallel_loop3A_187 : vector<16xf32> to vector<16xf32>
      tpu.vector_store %arg7[%parallel_loop3A_188], %parallel_loop3A_191 {add = true, strides = array<i32>} : memref<37632xf32, #tpu.memory_space<vmem>>, vector<16xf32>,
    } {sc.loop_unroll_factor = 8 : i64, sc.parallel_access}
    %dma_start3A_41 = arith.constant 1 : i32
    %dma_start3A_42 = tpu.memref_slice %arg4[%dma_start3A_41, %mul3A_2] : memref<8x1204224xf32, #tpu.memory_space<hbm>> -> memref<1x37632xf32, #tpu.memory_space<hbm>>
    %dma_start3A_43 = tpu.memref_squeeze %dma_start3A_42 : memref<1x37632xf32, #tpu.memory_space<hbm>> -> memref<37632xf32, #tpu.memory_space<hbm>>
    %dma_start3A_44 = tpu.memref_slice %arg4[%dma_start3A_41, %mul3A_2] : memref<8x1204224xf32, #tpu.memory_space<hbm>> -> memref<1x37632xf32, #tpu.memory_space<hbm>>
    %dma_start3A_45 = tpu.memref_squeeze %dma_start3A_44 : memref<1x37632xf32, #tpu.memory_space<hbm>> -> memref<37632xf32, #tpu.memory_space<hbm>>
    tpu.enqueue_dma source(%arg7 : memref<37632xf32, #tpu.memory_space<vmem>>) target(%dma_start3A_45 : memref<37632xf32, #tpu.memory_space<hbm>>) target_semaphore(%arg11 : memref<!tpu.dma_semaphore, #tpu.memory_space<semaphore_mem>>)
    %dma_wait3A_46 = arith.constant 1 : i32
    %dma_wait3A_47 = tpu.memref_slice %arg4[%dma_wait3A_46, %mul3A_2] : memref<8x1204224xf32, #tpu.memory_space<hbm>> -> memref<1x37632xf32, #tpu.memory_space<hbm>>
    %dma_wait3A_48 = tpu.memref_squeeze %dma_wait3A_47 : memref<1x37632xf32, #tpu.memory_space<hbm>> -> memref<37632xf32, #tpu.memory_space<hbm>>
    %dma_wait3A_49 = tpu.memref_slice %arg4[%dma_wait3A_46, %mul3A_2] : memref<8x1204224xf32, #tpu.memory_space<hbm>> -> memref<1x37632xf32, #tpu.memory_space<hbm>>
    %dma_wait3A_50 = tpu.memref_squeeze %dma_wait3A_49 : memref<1x37632xf32, #tpu.memory_space<hbm>> -> memref<37632xf32, #tpu.memory_space<hbm>>
    tpu.wait_dma2 semaphore(%arg11 : memref<!tpu.dma_semaphore, #tpu.memory_space<semaphore_mem>>) src(%arg7 : memref<37632xf32, #tpu.memory_space<vmem>>) dst(%dma_wait3A_50 : memref<37632xf32, #tpu.memory_space<hbm>>)
    %dma_start3A_51 = arith.constant 3 : i32
    %dma_start3A_52 = tpu.memref_slice %arg2[%dma_start3A_51, %mul3A_2] : memref<8x1204224xf32, #tpu.memory_space<hbm>> -> memref<1x37632xf32, #tpu.memory_space<hbm>>
    %dma_start3A_53 = tpu.memref_squeeze %dma_start3A_52 : memref<1x37632xf32, #tpu.memory_space<hbm>> -> memref<37632xf32, #tpu.memory_space<hbm>>
    %dma_start3A_54 = tpu.memref_slice %arg2[%dma_start3A_51, %mul3A_2] : memref<8x1204224xf32, #tpu.memory_space<hbm>> -> memref<1x37632xf32, #tpu.memory_space<hbm>>
    %dma_start3A_55 = tpu.memref_squeeze %dma_start3A_54 : memref<1x37632xf32, #tpu.memory_space<hbm>> -> memref<37632xf32, #tpu.memory_space<hbm>>
    tpu.enqueue_dma source(%dma_start3A_55 : memref<37632xf32, #tpu.memory_space<hbm>>) target(%arg7 : memref<37632xf32, #tpu.memory_space<vmem>>) target_semaphore(%arg9 : memref<!tpu.dma_semaphore, #tpu.memory_space<semaphore_mem>>)
    %dma_wait3A_56 = arith.constant 2 : i32
    %dma_wait3A_57 = tpu.memref_slice %arg2[%dma_wait3A_56, %mul3A_2] : memref<8x1204224xf32, #tpu.memory_space<hbm>> -> memref<1x37632xf32, #tpu.memory_space<hbm>>
    %dma_wait3A_58 = tpu.memref_squeeze %dma_wait3A_57 : memref<1x37632xf32, #tpu.memory_space<hbm>> -> memref<37632xf32, #tpu.memory_space<hbm>>
    %dma_wait3A_59 = tpu.memref_slice %arg2[%dma_wait3A_56, %mul3A_2] : memref<8x1204224xf32, #tpu.memory_space<hbm>> -> memref<1x37632xf32, #tpu.memory_space<hbm>>
    %dma_wait3A_60 = tpu.memref_squeeze %dma_wait3A_59 : memref<1x37632xf32, #tpu.memory_space<hbm>> -> memref<37632xf32, #tpu.memory_space<hbm>>
    tpu.wait_dma2 semaphore(%arg8 : memref<!tpu.dma_semaphore, #tpu.memory_space<semaphore_mem>>) src(%dma_wait3A_60 : memref<37632xf32, #tpu.memory_space<hbm>>) dst(%arg6 : memref<37632xf32, #tpu.memory_space<vmem>>)
    %parallel_loop3A_61 = arith.constant 0 : i32
    %parallel_loop3A_62 = arith.constant 37632 : i32
    %parallel_loop3A_63 = arith.constant 16 : i32
    scf.for %parallel_loop3A_184 = %parallel_loop3A_61 to %parallel_loop3A_62 step %parallel_loop3A_63  : i32 {
      %parallel_loop3A_185 = arith.index_cast %parallel_loop3A_184 : i32 to index
      %parallel_loop3A_186 = tpu.vector_load %arg5[%parallel_loop3A_185] {strides = array<i32>} : memref<37632xf32, #tpu.memory_space<vmem>>, vector<16xf32>,
      %parallel_loop3A_187 = vector.shape_cast %parallel_loop3A_186 : vector<16xf32> to vector<16xf32>
      %parallel_loop3A_188 = arith.index_cast %parallel_loop3A_184 : i32 to index
      %parallel_loop3A_189 = tpu.vector_load %arg6[%parallel_loop3A_188] {strides = array<i32>} : memref<37632xf32, #tpu.memory_space<vmem>>, vector<16xf32>,
      %parallel_loop3A_190 = vector.shape_cast %parallel_loop3A_189 : vector<16xf32> to vector<16xf32>
      %parallel_loop3A_191 = vector.shape_cast %parallel_loop3A_187 : vector<16xf32> to vector<16xf32>
      tpu.vector_store %arg6[%parallel_loop3A_188], %parallel_loop3A_191 {add = true, strides = array<i32>} : memref<37632xf32, #tpu.memory_space<vmem>>, vector<16xf32>,
    } {sc.loop_unroll_factor = 8 : i64, sc.parallel_access}
    %dma_start3A_64 = arith.constant 2 : i32
    %dma_start3A_65 = tpu.memref_slice %arg4[%dma_start3A_64, %mul3A_2] : memref<8x1204224xf32, #tpu.memory_space<hbm>> -> memref<1x37632xf32, #tpu.memory_space<hbm>>
    %dma_start3A_66 = tpu.memref_squeeze %dma_start3A_65 : memref<1x37632xf32, #tpu.memory_space<hbm>> -> memref<37632xf32, #tpu.memory_space<hbm>>
    %dma_start3A_67 = tpu.memref_slice %arg4[%dma_start3A_64, %mul3A_2] : memref<8x1204224xf32, #tpu.memory_space<hbm>> -> memref<1x37632xf32, #tpu.memory_space<hbm>>
    %dma_start3A_68 = tpu.memref_squeeze %dma_start3A_67 : memref<1x37632xf32, #tpu.memory_space<hbm>> -> memref<37632xf32, #tpu.memory_space<hbm>>
    tpu.enqueue_dma source(%arg6 : memref<37632xf32, #tpu.memory_space<vmem>>) target(%dma_start3A_68 : memref<37632xf32, #tpu.memory_space<hbm>>) target_semaphore(%arg10 : memref<!tpu.dma_semaphore, #tpu.memory_space<semaphore_mem>>)
    %dma_wait3A_69 = arith.constant 2 : i32
    %dma_wait3A_70 = tpu.memref_slice %arg4[%dma_wait3A_69, %mul3A_2] : memref<8x1204224xf32, #tpu.memory_space<hbm>> -> memref<1x37632xf32, #tpu.memory_space<hbm>>
    %dma_wait3A_71 = tpu.memref_squeeze %dma_wait3A_70 : memref<1x37632xf32, #tpu.memory_space<hbm>> -> memref<37632xf32, #tpu.memory_space<hbm>>
    %dma_wait3A_72 = tpu.memref_slice %arg4[%dma_wait3A_69, %mul3A_2] : memref<8x1204224xf32, #tpu.memory_space<hbm>> -> memref<1x37632xf32, #tpu.memory_space<hbm>>
    %dma_wait3A_73 = tpu.memref_squeeze %dma_wait3A_72 : memref<1x37632xf32, #tpu.memory_space<hbm>> -> memref<37632xf32, #tpu.memory_space<hbm>>
    tpu.wait_dma2 semaphore(%arg10 : memref<!tpu.dma_semaphore, #tpu.memory_space<semaphore_mem>>) src(%arg6 : memref<37632xf32, #tpu.memory_space<vmem>>) dst(%dma_wait3A_73 : memref<37632xf32, #tpu.memory_space<hbm>>)
    %dma_start3A_74 = arith.constant 4 : i32
    %dma_start3A_75 = tpu.memref_slice %arg2[%dma_start3A_74, %mul3A_2] : memref<8x1204224xf32, #tpu.memory_space<hbm>> -> memref<1x37632xf32, #tpu.memory_space<hbm>>
    %dma_start3A_76 = tpu.memref_squeeze %dma_start3A_75 : memref<1x37632xf32, #tpu.memory_space<hbm>> -> memref<37632xf32, #tpu.memory_space<hbm>>
    %dma_start3A_77 = tpu.memref_slice %arg2[%dma_start3A_74, %mul3A_2] : memref<8x1204224xf32, #tpu.memory_space<hbm>> -> memref<1x37632xf32, #tpu.memory_space<hbm>>
    %dma_start3A_78 = tpu.memref_squeeze %dma_start3A_77 : memref<1x37632xf32, #tpu.memory_space<hbm>> -> memref<37632xf32, #tpu.memory_space<hbm>>
    tpu.enqueue_dma source(%dma_start3A_78 : memref<37632xf32, #tpu.memory_space<hbm>>) target(%arg6 : memref<37632xf32, #tpu.memory_space<vmem>>) target_semaphore(%arg8 : memref<!tpu.dma_semaphore, #tpu.memory_space<semaphore_mem>>)
    %dma_wait3A_79 = arith.constant 3 : i32
    %dma_wait3A_80 = tpu.memref_slice %arg2[%dma_wait3A_79, %mul3A_2] : memref<8x1204224xf32, #tpu.memory_space<hbm>> -> memref<1x37632xf32, #tpu.memory_space<hbm>>
    %dma_wait3A_81 = tpu.memref_squeeze %dma_wait3A_80 : memref<1x37632xf32, #tpu.memory_space<hbm>> -> memref<37632xf32, #tpu.memory_space<hbm>>
    %dma_wait3A_82 = tpu.memref_slice %arg2[%dma_wait3A_79, %mul3A_2] : memref<8x1204224xf32, #tpu.memory_space<hbm>> -> memref<1x37632xf32, #tpu.memory_space<hbm>>
    %dma_wait3A_83 = tpu.memref_squeeze %dma_wait3A_82 : memref<1x37632xf32, #tpu.memory_space<hbm>> -> memref<37632xf32, #tpu.memory_space<hbm>>
    tpu.wait_dma2 semaphore(%arg9 : memref<!tpu.dma_semaphore, #tpu.memory_space<semaphore_mem>>) src(%dma_wait3A_83 : memref<37632xf32, #tpu.memory_space<hbm>>) dst(%arg7 : memref<37632xf32, #tpu.memory_space<vmem>>)
    %parallel_loop3A_84 = arith.constant 0 : i32
    %parallel_loop3A_85 = arith.constant 37632 : i32
    %parallel_loop3A_86 = arith.constant 16 : i32
    scf.for %parallel_loop3A_184 = %parallel_loop3A_84 to %parallel_loop3A_85 step %parallel_loop3A_86  : i32 {
      %parallel_loop3A_185 = arith.index_cast %parallel_loop3A_184 : i32 to index
      %parallel_loop3A_186 = tpu.vector_load %arg5[%parallel_loop3A_185] {strides = array<i32>} : memref<37632xf32, #tpu.memory_space<vmem>>, vector<16xf32>,
      %parallel_loop3A_187 = vector.shape_cast %parallel_loop3A_186 : vector<16xf32> to vector<16xf32>
      %parallel_loop3A_188 = arith.index_cast %parallel_loop3A_184 : i32 to index
      %parallel_loop3A_189 = tpu.vector_load %arg7[%parallel_loop3A_188] {strides = array<i32>} : memref<37632xf32, #tpu.memory_space<vmem>>, vector<16xf32>,
      %parallel_loop3A_190 = vector.shape_cast %parallel_loop3A_189 : vector<16xf32> to vector<16xf32>
      %parallel_loop3A_191 = vector.shape_cast %parallel_loop3A_187 : vector<16xf32> to vector<16xf32>
      tpu.vector_store %arg7[%parallel_loop3A_188], %parallel_loop3A_191 {add = true, strides = array<i32>} : memref<37632xf32, #tpu.memory_space<vmem>>, vector<16xf32>,
    } {sc.loop_unroll_factor = 8 : i64, sc.parallel_access}
    %dma_start3A_87 = arith.constant 3 : i32
    %dma_start3A_88 = tpu.memref_slice %arg4[%dma_start3A_87, %mul3A_2] : memref<8x1204224xf32, #tpu.memory_space<hbm>> -> memref<1x37632xf32, #tpu.memory_space<hbm>>
    %dma_start3A_89 = tpu.memref_squeeze %dma_start3A_88 : memref<1x37632xf32, #tpu.memory_space<hbm>> -> memref<37632xf32, #tpu.memory_space<hbm>>
    %dma_start3A_90 = tpu.memref_slice %arg4[%dma_start3A_87, %mul3A_2] : memref<8x1204224xf32, #tpu.memory_space<hbm>> -> memref<1x37632xf32, #tpu.memory_space<hbm>>
    %dma_start3A_91 = tpu.memref_squeeze %dma_start3A_90 : memref<1x37632xf32, #tpu.memory_space<hbm>> -> memref<37632xf32, #tpu.memory_space<hbm>>
    tpu.enqueue_dma source(%arg7 : memref<37632xf32, #tpu.memory_space<vmem>>) target(%dma_start3A_91 : memref<37632xf32, #tpu.memory_space<hbm>>) target_semaphore(%arg11 : memref<!tpu.dma_semaphore, #tpu.memory_space<semaphore_mem>>)
    %dma_wait3A_92 = arith.constant 3 : i32
    %dma_wait3A_93 = tpu.memref_slice %arg4[%dma_wait3A_92, %mul3A_2] : memref<8x1204224xf32, #tpu.memory_space<hbm>> -> memref<1x37632xf32, #tpu.memory_space<hbm>>
    %dma_wait3A_94 = tpu.memref_squeeze %dma_wait3A_93 : memref<1x37632xf32, #tpu.memory_space<hbm>> -> memref<37632xf32, #tpu.memory_space<hbm>>
    %dma_wait3A_95 = tpu.memref_slice %arg4[%dma_wait3A_92, %mul3A_2] : memref<8x1204224xf32, #tpu.memory_space<hbm>> -> memref<1x37632xf32, #tpu.memory_space<hbm>>
    %dma_wait3A_96 = tpu.memref_squeeze %dma_wait3A_95 : memref<1x37632xf32, #tpu.memory_space<hbm>> -> memref<37632xf32, #tpu.memory_space<hbm>>
    tpu.wait_dma2 semaphore(%arg11 : memref<!tpu.dma_semaphore, #tpu.memory_space<semaphore_mem>>) src(%arg7 : memref<37632xf32, #tpu.memory_space<vmem>>) dst(%dma_wait3A_96 : memref<37632xf32, #tpu.memory_space<hbm>>)
    %dma_start3A_97 = arith.constant 5 : i32
    %dma_start3A_98 = tpu.memref_slice %arg2[%dma_start3A_97, %mul3A_2] : memref<8x1204224xf32, #tpu.memory_space<hbm>> -> memref<1x37632xf32, #tpu.memory_space<hbm>>
    %dma_start3A_99 = tpu.memref_squeeze %dma_start3A_98 : memref<1x37632xf32, #tpu.memory_space<hbm>> -> memref<37632xf32, #tpu.memory_space<hbm>>
    %dma_start3A_100 = tpu.memref_slice %arg2[%dma_start3A_97, %mul3A_2] : memref<8x1204224xf32, #tpu.memory_space<hbm>> -> memref<1x37632xf32, #tpu.memory_space<hbm>>
    %dma_start3A_101 = tpu.memref_squeeze %dma_start3A_100 : memref<1x37632xf32, #tpu.memory_space<hbm>> -> memref<37632xf32, #tpu.memory_space<hbm>>
    tpu.enqueue_dma source(%dma_start3A_101 : memref<37632xf32, #tpu.memory_space<hbm>>) target(%arg7 : memref<37632xf32, #tpu.memory_space<vmem>>) target_semaphore(%arg9 : memref<!tpu.dma_semaphore, #tpu.memory_space<semaphore_mem>>)
    %dma_wait3A_102 = arith.constant 4 : i32
    %dma_wait3A_103 = tpu.memref_slice %arg2[%dma_wait3A_102, %mul3A_2] : memref<8x1204224xf32, #tpu.memory_space<hbm>> -> memref<1x37632xf32, #tpu.memory_space<hbm>>
    %dma_wait3A_104 = tpu.memref_squeeze %dma_wait3A_103 : memref<1x37632xf32, #tpu.memory_space<hbm>> -> memref<37632xf32, #tpu.memory_space<hbm>>
    %dma_wait3A_105 = tpu.memref_slice %arg2[%dma_wait3A_102, %mul3A_2] : memref<8x1204224xf32, #tpu.memory_space<hbm>> -> memref<1x37632xf32, #tpu.memory_space<hbm>>
    %dma_wait3A_106 = tpu.memref_squeeze %dma_wait3A_105 : memref<1x37632xf32, #tpu.memory_space<hbm>> -> memref<37632xf32, #tpu.memory_space<hbm>>
    tpu.wait_dma2 semaphore(%arg8 : memref<!tpu.dma_semaphore, #tpu.memory_space<semaphore_mem>>) src(%dma_wait3A_106 : memref<37632xf32, #tpu.memory_space<hbm>>) dst(%arg6 : memref<37632xf32, #tpu.memory_space<vmem>>)
    %parallel_loop3A_107 = arith.constant 0 : i32
    %parallel_loop3A_108 = arith.constant 37632 : i32
    %parallel_loop3A_109 = arith.constant 16 : i32
    scf.for %parallel_loop3A_184 = %parallel_loop3A_107 to %parallel_loop3A_108 step %parallel_loop3A_109  : i32 {
      %parallel_loop3A_185 = arith.index_cast %parallel_loop3A_184 : i32 to index
      %parallel_loop3A_186 = tpu.vector_load %arg5[%parallel_loop3A_185] {strides = array<i32>} : memref<37632xf32, #tpu.memory_space<vmem>>, vector<16xf32>,
      %parallel_loop3A_187 = vector.shape_cast %parallel_loop3A_186 : vector<16xf32> to vector<16xf32>
      %parallel_loop3A_188 = arith.index_cast %parallel_loop3A_184 : i32 to index
      %parallel_loop3A_189 = tpu.vector_load %arg6[%parallel_loop3A_188] {strides = array<i32>} : memref<37632xf32, #tpu.memory_space<vmem>>, vector<16xf32>,
      %parallel_loop3A_190 = vector.shape_cast %parallel_loop3A_189 : vector<16xf32> to vector<16xf32>
      %parallel_loop3A_191 = vector.shape_cast %parallel_loop3A_187 : vector<16xf32> to vector<16xf32>
      tpu.vector_store %arg6[%parallel_loop3A_188], %parallel_loop3A_191 {add = true, strides = array<i32>} : memref<37632xf32, #tpu.memory_space<vmem>>, vector<16xf32>,
    } {sc.loop_unroll_factor = 8 : i64, sc.parallel_access}
    %dma_start3A_110 = arith.constant 4 : i32
    %dma_start3A_111 = tpu.memref_slice %arg4[%dma_start3A_110, %mul3A_2] : memref<8x1204224xf32, #tpu.memory_space<hbm>> -> memref<1x37632xf32, #tpu.memory_space<hbm>>
    %dma_start3A_112 = tpu.memref_squeeze %dma_start3A_111 : memref<1x37632xf32, #tpu.memory_space<hbm>> -> memref<37632xf32, #tpu.memory_space<hbm>>
    %dma_start3A_113 = tpu.memref_slice %arg4[%dma_start3A_110, %mul3A_2] : memref<8x1204224xf32, #tpu.memory_space<hbm>> -> memref<1x37632xf32, #tpu.memory_space<hbm>>
    %dma_start3A_114 = tpu.memref_squeeze %dma_start3A_113 : memref<1x37632xf32, #tpu.memory_space<hbm>> -> memref<37632xf32, #tpu.memory_space<hbm>>
    tpu.enqueue_dma source(%arg6 : memref<37632xf32, #tpu.memory_space<vmem>>) target(%dma_start3A_114 : memref<37632xf32, #tpu.memory_space<hbm>>) target_semaphore(%arg10 : memref<!tpu.dma_semaphore, #tpu.memory_space<semaphore_mem>>)
    %dma_wait3A_115 = arith.constant 4 : i32
    %dma_wait3A_116 = tpu.memref_slice %arg4[%dma_wait3A_115, %mul3A_2] : memref<8x1204224xf32, #tpu.memory_space<hbm>> -> memref<1x37632xf32, #tpu.memory_space<hbm>>
    %dma_wait3A_117 = tpu.memref_squeeze %dma_wait3A_116 : memref<1x37632xf32, #tpu.memory_space<hbm>> -> memref<37632xf32, #tpu.memory_space<hbm>>
    %dma_wait3A_118 = tpu.memref_slice %arg4[%dma_wait3A_115, %mul3A_2] : memref<8x1204224xf32, #tpu.memory_space<hbm>> -> memref<1x37632xf32, #tpu.memory_space<hbm>>
    %dma_wait3A_119 = tpu.memref_squeeze %dma_wait3A_118 : memref<1x37632xf32, #tpu.memory_space<hbm>> -> memref<37632xf32, #tpu.memory_space<hbm>>
    tpu.wait_dma2 semaphore(%arg10 : memref<!tpu.dma_semaphore, #tpu.memory_space<semaphore_mem>>) src(%arg6 : memref<37632xf32, #tpu.memory_space<vmem>>) dst(%dma_wait3A_119 : memref<37632xf32, #tpu.memory_space<hbm>>)
    %dma_start3A_120 = arith.constant 6 : i32
    %dma_start3A_121 = tpu.memref_slice %arg2[%dma_start3A_120, %mul3A_2] : memref<8x1204224xf32, #tpu.memory_space<hbm>> -> memref<1x37632xf32, #tpu.memory_space<hbm>>
    %dma_start3A_122 = tpu.memref_squeeze %dma_start3A_121 : memref<1x37632xf32, #tpu.memory_space<hbm>> -> memref<37632xf32, #tpu.memory_space<hbm>>
    %dma_start3A_123 = tpu.memref_slice %arg2[%dma_start3A_120, %mul3A_2] : memref<8x1204224xf32, #tpu.memory_space<hbm>> -> memref<1x37632xf32, #tpu.memory_space<hbm>>
    %dma_start3A_124 = tpu.memref_squeeze %dma_start3A_123 : memref<1x37632xf32, #tpu.memory_space<hbm>> -> memref<37632xf32, #tpu.memory_space<hbm>>
    tpu.enqueue_dma source(%dma_start3A_124 : memref<37632xf32, #tpu.memory_space<hbm>>) target(%arg6 : memref<37632xf32, #tpu.memory_space<vmem>>) target_semaphore(%arg8 : memref<!tpu.dma_semaphore, #tpu.memory_space<semaphore_mem>>)
    %dma_wait3A_125 = arith.constant 5 : i32
    %dma_wait3A_126 = tpu.memref_slice %arg2[%dma_wait3A_125, %mul3A_2] : memref<8x1204224xf32, #tpu.memory_space<hbm>> -> memref<1x37632xf32, #tpu.memory_space<hbm>>
    %dma_wait3A_127 = tpu.memref_squeeze %dma_wait3A_126 : memref<1x37632xf32, #tpu.memory_space<hbm>> -> memref<37632xf32, #tpu.memory_space<hbm>>
    %dma_wait3A_128 = tpu.memref_slice %arg2[%dma_wait3A_125, %mul3A_2] : memref<8x1204224xf32, #tpu.memory_space<hbm>> -> memref<1x37632xf32, #tpu.memory_space<hbm>>
    %dma_wait3A_129 = tpu.memref_squeeze %dma_wait3A_128 : memref<1x37632xf32, #tpu.memory_space<hbm>> -> memref<37632xf32, #tpu.memory_space<hbm>>
    tpu.wait_dma2 semaphore(%arg9 : memref<!tpu.dma_semaphore, #tpu.memory_space<semaphore_mem>>) src(%dma_wait3A_129 : memref<37632xf32, #tpu.memory_space<hbm>>) dst(%arg7 : memref<37632xf32, #tpu.memory_space<vmem>>)
    %parallel_loop3A_130 = arith.constant 0 : i32
    %parallel_loop3A_131 = arith.constant 37632 : i32
    %parallel_loop3A_132 = arith.constant 16 : i32
    scf.for %parallel_loop3A_184 = %parallel_loop3A_130 to %parallel_loop3A_131 step %parallel_loop3A_132  : i32 {
      %parallel_loop3A_185 = arith.index_cast %parallel_loop3A_184 : i32 to index
      %parallel_loop3A_186 = tpu.vector_load %arg5[%parallel_loop3A_185] {strides = array<i32>} : memref<37632xf32, #tpu.memory_space<vmem>>, vector<16xf32>,
      %parallel_loop3A_187 = vector.shape_cast %parallel_loop3A_186 : vector<16xf32> to vector<16xf32>
      %parallel_loop3A_188 = arith.index_cast %parallel_loop3A_184 : i32 to index
      %parallel_loop3A_189 = tpu.vector_load %arg7[%parallel_loop3A_188] {strides = array<i32>} : memref<37632xf32, #tpu.memory_space<vmem>>, vector<16xf32>,
      %parallel_loop3A_190 = vector.shape_cast %parallel_loop3A_189 : vector<16xf32> to vector<16xf32>
      %parallel_loop3A_191 = vector.shape_cast %parallel_loop3A_187 : vector<16xf32> to vector<16xf32>
      tpu.vector_store %arg7[%parallel_loop3A_188], %parallel_loop3A_191 {add = true, strides = array<i32>} : memref<37632xf32, #tpu.memory_space<vmem>>, vector<16xf32>,
    } {sc.loop_unroll_factor = 8 : i64, sc.parallel_access}
    %dma_start3A_133 = arith.constant 5 : i32
    %dma_start3A_134 = tpu.memref_slice %arg4[%dma_start3A_133, %mul3A_2] : memref<8x1204224xf32, #tpu.memory_space<hbm>> -> memref<1x37632xf32, #tpu.memory_space<hbm>>
    %dma_start3A_135 = tpu.memref_squeeze %dma_start3A_134 : memref<1x37632xf32, #tpu.memory_space<hbm>> -> memref<37632xf32, #tpu.memory_space<hbm>>
    %dma_start3A_136 = tpu.memref_slice %arg4[%dma_start3A_133, %mul3A_2] : memref<8x1204224xf32, #tpu.memory_space<hbm>> -> memref<1x37632xf32, #tpu.memory_space<hbm>>
    %dma_start3A_137 = tpu.memref_squeeze %dma_start3A_136 : memref<1x37632xf32, #tpu.memory_space<hbm>> -> memref<37632xf32, #tpu.memory_space<hbm>>
    tpu.enqueue_dma source(%arg7 : memref<37632xf32, #tpu.memory_space<vmem>>) target(%dma_start3A_137 : memref<37632xf32, #tpu.memory_space<hbm>>) target_semaphore(%arg11 : memref<!tpu.dma_semaphore, #tpu.memory_space<semaphore_mem>>)
    %dma_wait3A_138 = arith.constant 5 : i32
    %dma_wait3A_139 = tpu.memref_slice %arg4[%dma_wait3A_138, %mul3A_2] : memref<8x1204224xf32, #tpu.memory_space<hbm>> -> memref<1x37632xf32, #tpu.memory_space<hbm>>
    %dma_wait3A_140 = tpu.memref_squeeze %dma_wait3A_139 : memref<1x37632xf32, #tpu.memory_space<hbm>> -> memref<37632xf32, #tpu.memory_space<hbm>>
    %dma_wait3A_141 = tpu.memref_slice %arg4[%dma_wait3A_138, %mul3A_2] : memref<8x1204224xf32, #tpu.memory_space<hbm>> -> memref<1x37632xf32, #tpu.memory_space<hbm>>
    %dma_wait3A_142 = tpu.memref_squeeze %dma_wait3A_141 : memref<1x37632xf32, #tpu.memory_space<hbm>> -> memref<37632xf32, #tpu.memory_space<hbm>>
    tpu.wait_dma2 semaphore(%arg11 : memref<!tpu.dma_semaphore, #tpu.memory_space<semaphore_mem>>) src(%arg7 : memref<37632xf32, #tpu.memory_space<vmem>>) dst(%dma_wait3A_142 : memref<37632xf32, #tpu.memory_space<hbm>>)
    %dma_start3A_143 = arith.constant 7 : i32
    %dma_start3A_144 = tpu.memref_slice %arg2[%dma_start3A_143, %mul3A_2] : memref<8x1204224xf32, #tpu.memory_space<hbm>> -> memref<1x37632xf32, #tpu.memory_space<hbm>>
    %dma_start3A_145 = tpu.memref_squeeze %dma_start3A_144 : memref<1x37632xf32, #tpu.memory_space<hbm>> -> memref<37632xf32, #tpu.memory_space<hbm>>
    %dma_start3A_146 = tpu.memref_slice %arg2[%dma_start3A_143, %mul3A_2] : memref<8x1204224xf32, #tpu.memory_space<hbm>> -> memref<1x37632xf32, #tpu.memory_space<hbm>>
    %dma_start3A_147 = tpu.memref_squeeze %dma_start3A_146 : memref<1x37632xf32, #tpu.memory_space<hbm>> -> memref<37632xf32, #tpu.memory_space<hbm>>
    tpu.enqueue_dma source(%dma_start3A_147 : memref<37632xf32, #tpu.memory_space<hbm>>) target(%arg7 : memref<37632xf32, #tpu.memory_space<vmem>>) target_semaphore(%arg9 : memref<!tpu.dma_semaphore, #tpu.memory_space<semaphore_mem>>)
    %dma_wait3A_148 = arith.constant 6 : i32
    %dma_wait3A_149 = tpu.memref_slice %arg2[%dma_wait3A_148, %mul3A_2] : memref<8x1204224xf32, #tpu.memory_space<hbm>> -> memref<1x37632xf32, #tpu.memory_space<hbm>>
    %dma_wait3A_150 = tpu.memref_squeeze %dma_wait3A_149 : memref<1x37632xf32, #tpu.memory_space<hbm>> -> memref<37632xf32, #tpu.memory_space<hbm>>
    %dma_wait3A_151 = tpu.memref_slice %arg2[%dma_wait3A_148, %mul3A_2] : memref<8x1204224xf32, #tpu.memory_space<hbm>> -> memref<1x37632xf32, #tpu.memory_space<hbm>>
    %dma_wait3A_152 = tpu.memref_squeeze %dma_wait3A_151 : memref<1x37632xf32, #tpu.memory_space<hbm>> -> memref<37632xf32, #tpu.memory_space<hbm>>
    tpu.wait_dma2 semaphore(%arg8 : memref<!tpu.dma_semaphore, #tpu.memory_space<semaphore_mem>>) src(%dma_wait3A_152 : memref<37632xf32, #tpu.memory_space<hbm>>) dst(%arg6 : memref<37632xf32, #tpu.memory_space<vmem>>)
    %parallel_loop3A_153 = arith.constant 0 : i32
    %parallel_loop3A_154 = arith.constant 37632 : i32
    %parallel_loop3A_155 = arith.constant 16 : i32
    scf.for %parallel_loop3A_184 = %parallel_loop3A_153 to %parallel_loop3A_154 step %parallel_loop3A_155  : i32 {
      %parallel_loop3A_185 = arith.index_cast %parallel_loop3A_184 : i32 to index
      %parallel_loop3A_186 = tpu.vector_load %arg5[%parallel_loop3A_185] {strides = array<i32>} : memref<37632xf32, #tpu.memory_space<vmem>>, vector<16xf32>,
      %parallel_loop3A_187 = vector.shape_cast %parallel_loop3A_186 : vector<16xf32> to vector<16xf32>
      %parallel_loop3A_188 = arith.index_cast %parallel_loop3A_184 : i32 to index
      %parallel_loop3A_189 = tpu.vector_load %arg6[%parallel_loop3A_188] {strides = array<i32>} : memref<37632xf32, #tpu.memory_space<vmem>>, vector<16xf32>,
      %parallel_loop3A_190 = vector.shape_cast %parallel_loop3A_189 : vector<16xf32> to vector<16xf32>
      %parallel_loop3A_191 = vector.shape_cast %parallel_loop3A_187 : vector<16xf32> to vector<16xf32>
      tpu.vector_store %arg6[%parallel_loop3A_188], %parallel_loop3A_191 {add = true, strides = array<i32>} : memref<37632xf32, #tpu.memory_space<vmem>>, vector<16xf32>,
    } {sc.loop_unroll_factor = 8 : i64, sc.parallel_access}
    %dma_start3A_156 = arith.constant 6 : i32
    %dma_start3A_157 = tpu.memref_slice %arg4[%dma_start3A_156, %mul3A_2] : memref<8x1204224xf32, #tpu.memory_space<hbm>> -> memref<1x37632xf32, #tpu.memory_space<hbm>>
    %dma_start3A_158 = tpu.memref_squeeze %dma_start3A_157 : memref<1x37632xf32, #tpu.memory_space<hbm>> -> memref<37632xf32, #tpu.memory_space<hbm>>
    %dma_start3A_159 = tpu.memref_slice %arg4[%dma_start3A_156, %mul3A_2] : memref<8x1204224xf32, #tpu.memory_space<hbm>> -> memref<1x37632xf32, #tpu.memory_space<hbm>>
    %dma_start3A_160 = tpu.memref_squeeze %dma_start3A_159 : memref<1x37632xf32, #tpu.memory_space<hbm>> -> memref<37632xf32, #tpu.memory_space<hbm>>
    tpu.enqueue_dma source(%arg6 : memref<37632xf32, #tpu.memory_space<vmem>>) target(%dma_start3A_160 : memref<37632xf32, #tpu.memory_space<hbm>>) target_semaphore(%arg10 : memref<!tpu.dma_semaphore, #tpu.memory_space<semaphore_mem>>)
    %dma_wait3A_161 = arith.constant 7 : i32
    %dma_wait3A_162 = tpu.memref_slice %arg2[%dma_wait3A_161, %mul3A_2] : memref<8x1204224xf32, #tpu.memory_space<hbm>> -> memref<1x37632xf32, #tpu.memory_space<hbm>>
    %dma_wait3A_163 = tpu.memref_squeeze %dma_wait3A_162 : memref<1x37632xf32, #tpu.memory_space<hbm>> -> memref<37632xf32, #tpu.memory_space<hbm>>
    %dma_wait3A_164 = tpu.memref_slice %arg2[%dma_wait3A_161, %mul3A_2] : memref<8x1204224xf32, #tpu.memory_space<hbm>> -> memref<1x37632xf32, #tpu.memory_space<hbm>>
    %dma_wait3A_165 = tpu.memref_squeeze %dma_wait3A_164 : memref<1x37632xf32, #tpu.memory_space<hbm>> -> memref<37632xf32, #tpu.memory_space<hbm>>
    tpu.wait_dma2 semaphore(%arg9 : memref<!tpu.dma_semaphore, #tpu.memory_space<semaphore_mem>>) src(%dma_wait3A_165 : memref<37632xf32, #tpu.memory_space<hbm>>) dst(%arg7 : memref<37632xf32, #tpu.memory_space<vmem>>)
    %parallel_loop3A_166 = arith.constant 0 : i32
    %parallel_loop3A_167 = arith.constant 37632 : i32
    %parallel_loop3A_168 = arith.constant 16 : i32
    scf.for %parallel_loop3A_184 = %parallel_loop3A_166 to %parallel_loop3A_167 step %parallel_loop3A_168  : i32 {
      %parallel_loop3A_185 = arith.index_cast %parallel_loop3A_184 : i32 to index
      %parallel_loop3A_186 = tpu.vector_load %arg5[%parallel_loop3A_185] {strides = array<i32>} : memref<37632xf32, #tpu.memory_space<vmem>>, vector<16xf32>,
      %parallel_loop3A_187 = vector.shape_cast %parallel_loop3A_186 : vector<16xf32> to vector<16xf32>
      %parallel_loop3A_188 = arith.index_cast %parallel_loop3A_184 : i32 to index
      %parallel_loop3A_189 = tpu.vector_load %arg7[%parallel_loop3A_188] {strides = array<i32>} : memref<37632xf32, #tpu.memory_space<vmem>>, vector<16xf32>,
      %parallel_loop3A_190 = vector.shape_cast %parallel_loop3A_189 : vector<16xf32> to vector<16xf32>
      %parallel_loop3A_191 = vector.shape_cast %parallel_loop3A_187 : vector<16xf32> to vector<16xf32>
      tpu.vector_store %arg7[%parallel_loop3A_188], %parallel_loop3A_191 {add = true, strides = array<i32>} : memref<37632xf32, #tpu.memory_space<vmem>>, vector<16xf32>,
    } {sc.loop_unroll_factor = 8 : i64, sc.parallel_access}
    %dma_start3A_169 = arith.constant 7 : i32
    %dma_start3A_170 = tpu.memref_slice %arg4[%dma_start3A_169, %mul3A_2] : memref<8x1204224xf32, #tpu.memory_space<hbm>> -> memref<1x37632xf32, #tpu.memory_space<hbm>>
    %dma_start3A_171 = tpu.memref_squeeze %dma_start3A_170 : memref<1x37632xf32, #tpu.memory_space<hbm>> -> memref<37632xf32, #tpu.memory_space<hbm>>
    %dma_start3A_172 = tpu.memref_slice %arg4[%dma_start3A_169, %mul3A_2] : memref<8x1204224xf32, #tpu.memory_space<hbm>> -> memref<1x37632xf32, #tpu.memory_space<hbm>>
    %dma_start3A_173 = tpu.memref_squeeze %dma_start3A_172 : memref<1x37632xf32, #tpu.memory_space<hbm>> -> memref<37632xf32, #tpu.memory_space<hbm>>
    tpu.enqueue_dma source(%arg7 : memref<37632xf32, #tpu.memory_space<vmem>>) target(%dma_start3A_173 : memref<37632xf32, #tpu.memory_space<hbm>>) target_semaphore(%arg11 : memref<!tpu.dma_semaphore, #tpu.memory_space<semaphore_mem>>)
    %dma_wait3A_174 = arith.constant 6 : i32
    %dma_wait3A_175 = tpu.memref_slice %arg4[%dma_wait3A_174, %mul3A_2] : memref<8x1204224xf32, #tpu.memory_space<hbm>> -> memref<1x37632xf32, #tpu.memory_space<hbm>>
    %dma_wait3A_176 = tpu.memref_squeeze %dma_wait3A_175 : memref<1x37632xf32, #tpu.memory_space<hbm>> -> memref<37632xf32, #tpu.memory_space<hbm>>
    %dma_wait3A_177 = tpu.memref_slice %arg4[%dma_wait3A_174, %mul3A_2] : memref<8x1204224xf32, #tpu.memory_space<hbm>> -> memref<1x37632xf32, #tpu.memory_space<hbm>>
    %dma_wait3A_178 = tpu.memref_squeeze %dma_wait3A_177 : memref<1x37632xf32, #tpu.memory_space<hbm>> -> memref<37632xf32, #tpu.memory_space<hbm>>
    tpu.wait_dma2 semaphore(%arg10 : memref<!tpu.dma_semaphore, #tpu.memory_space<semaphore_mem>>) src(%arg6 : memref<37632xf32, #tpu.memory_space<vmem>>) dst(%dma_wait3A_178 : memref<37632xf32, #tpu.memory_space<hbm>>)
    %dma_wait3A_179 = arith.constant 7 : i32
    %dma_wait3A_180 = tpu.memref_slice %arg4[%dma_wait3A_179, %mul3A_2] : memref<8x1204224xf32, #tpu.memory_space<hbm>> -> memref<1x37632xf32, #tpu.memory_space<hbm>>
    %dma_wait3A_181 = tpu.memref_squeeze %dma_wait3A_180 : memref<1x37632xf32, #tpu.memory_space<hbm>> -> memref<37632xf32, #tpu.memory_space<hbm>>
    %dma_wait3A_182 = tpu.memref_slice %arg4[%dma_wait3A_179, %mul3A_2] : memref<8x1204224xf32, #tpu.memory_space<hbm>> -> memref<1x37632xf32, #tpu.memory_space<hbm>>
    %dma_wait3A_183 = tpu.memref_squeeze %dma_wait3A_182 : memref<1x37632xf32, #tpu.memory_space<hbm>> -> memref<37632xf32, #tpu.memory_space<hbm>>
    tpu.wait_dma2 semaphore(%arg11 : memref<!tpu.dma_semaphore, #tpu.memory_space<semaphore_mem>>) src(%arg7 : memref<37632xf32, #tpu.memory_space<vmem>>) dst(%dma_wait3A_183 : memref<37632xf32, #tpu.memory_space<hbm>>)
    return
  }
}

module attributes {stable_mosaic.version = 14 : i64} {
  func.func @_pos_kernel(%arg0: memref<8x768xf32, #tpu.memory_space<vmem>>, %arg1: memref<14x768xf32, #tpu.memory_space<vmem>>, %arg2: memref<14x768xf32, #tpu.memory_space<vmem>>, %arg3: memref<1x768xf32, #tpu.memory_space<vmem>>, %arg4: memref<1x768xf32, #tpu.memory_space<vmem>>, %arg5: memref<1568x768xf32, #tpu.memory_space<vmem>>) attributes {dimension_semantics = [], scalar_prefetch = 0 : i64, scratch_operands = 0 : i64, tpu.core_type = #tpu.core_type<tc>} {
    %iota3A = tpu.iota {dimensions = array<i32: 0>} : vector<1568x8xi32>
    %iota3A_0 = tpu.iota {dimensions = array<i32: 1>} : vector<1568x8xi32>
    %jit3A = arith.constant 196 : i32
    %div3A = vector.broadcast %jit3A : i32 to vector<1568x8xi32>
    %div3A_1 = arith.divsi %iota3A, %div3A : vector<1568x8xi32>
    %sign3A = arith.constant 0 : i32
    %sign3A_2 = vector.broadcast %sign3A : i32 to vector<1568x8xi32>
    %sign3A_3 = arith.cmpi sgt, %iota3A, %sign3A_2 : vector<1568x8xi32>
    %sign3A_4 = arith.extui %sign3A_3 : vector<1568x8xi1> to vector<1568x8xi32>
    %sign3A_5 = arith.constant 0 : i32
    %sign3A_6 = vector.broadcast %sign3A_5 : i32 to vector<1568x8xi32>
    %sign3A_7 = arith.cmpi slt, %iota3A, %sign3A_6 : vector<1568x8xi32>
    %sign3A_8 = arith.extui %sign3A_7 : vector<1568x8xi1> to vector<1568x8xi32>
    %sign3A_9 = arith.subi %sign3A_4, %sign3A_8 : vector<1568x8xi32>
    %sign3A_10 = arith.constant 0 : i32
    %sign3A_11 = arith.cmpi sgt, %jit3A, %sign3A_10 : i32
    %sign3A_12 = arith.extui %sign3A_11 : i1 to i32
    %sign3A_13 = arith.constant 0 : i32
    %sign3A_14 = arith.cmpi slt, %jit3A, %sign3A_13 : i32
    %sign3A_15 = arith.extui %sign3A_14 : i1 to i32
    %sign3A_16 = arith.subi %sign3A_12, %sign3A_15 : i32
    %ne3A = vector.broadcast %sign3A_16 : i32 to vector<1568x8xi32>
    %ne3A_17 = arith.cmpi ne, %sign3A_9, %ne3A : vector<1568x8xi32>
    %rem3A = vector.broadcast %jit3A : i32 to vector<1568x8xi32>
    %rem3A_18 = arith.remsi %iota3A, %rem3A : vector<1568x8xi32>
    %ne3A_19 = arith.constant 0 : i32
    %ne3A_20 = vector.broadcast %ne3A_19 : i32 to vector<1568x8xi32>
    %ne3A_21 = arith.cmpi ne, %rem3A_18, %ne3A_20 : vector<1568x8xi32>
    %and3A = arith.andi %ne3A_17, %ne3A_21 : vector<1568x8xi1>
    %sub3A = arith.constant 1 : i32
    %sub3A_22 = vector.broadcast %sub3A : i32 to vector<1568x8xi32>
    %sub3A_23 = arith.subi %div3A_1, %sub3A_22 : vector<1568x8xi32>
    %select_n3A = arith.select %and3A, %sub3A_23, %div3A_1 : vector<1568x8xi1>, vector<1568x8xi32>
    %eq3A = arith.cmpi eq, %select_n3A, %iota3A_0 : vector<1568x8xi32>
    %convert_element_type3A = arith.extui %eq3A : vector<1568x8xi1> to vector<1568x8xi32>
    %convert_element_type3A_24 = arith.sitofp %convert_element_type3A : vector<1568x8xi32> to vector<1568x8xf32>
    %get3A = arith.constant 0 : index
    %get3A_25 = arith.constant 0 : index
    %get3A_26 = vector.load %arg0[%get3A, %get3A_25] : memref<8x768xf32, #tpu.memory_space<vmem>>, vector<8x768xf32>
    %dot_general3A = arith.constant dense<0.000000e+00> : vector<1568x768xf32>
    %dot_general3A_27 = tpu.matmul %convert_element_type3A_24, %get3A_26, %dot_general3A {dimension_numbers = #tpu.dot_dimension_numbers<[1], [0], [0], [1], [0, 0, 1, 1], [], []>, transpose_lhs_hint = false} : vector<1568x8xf32>, vector<8x768xf32>, vector<1568x768xf32> -> vector<1568x768xf32>
    %iota3A_28 = tpu.iota {dimensions = array<i32: 0>} : vector<1568x14xi32>
    %iota3A_29 = tpu.iota {dimensions = array<i32: 1>} : vector<1568x14xi32>
    %jit3A_30 = arith.constant 14 : i32
    %div3A_31 = vector.broadcast %jit3A_30 : i32 to vector<1568x14xi32>
    %div3A_32 = arith.divsi %iota3A_28, %div3A_31 : vector<1568x14xi32>
    %sign3A_33 = arith.constant 0 : i32
    %sign3A_34 = vector.broadcast %sign3A_33 : i32 to vector<1568x14xi32>
    %sign3A_35 = arith.cmpi sgt, %iota3A_28, %sign3A_34 : vector<1568x14xi32>
    %sign3A_36 = arith.extui %sign3A_35 : vector<1568x14xi1> to vector<1568x14xi32>
    %sign3A_37 = arith.constant 0 : i32
    %sign3A_38 = vector.broadcast %sign3A_37 : i32 to vector<1568x14xi32>
    %sign3A_39 = arith.cmpi slt, %iota3A_28, %sign3A_38 : vector<1568x14xi32>
    %sign3A_40 = arith.extui %sign3A_39 : vector<1568x14xi1> to vector<1568x14xi32>
    %sign3A_41 = arith.subi %sign3A_36, %sign3A_40 : vector<1568x14xi32>
    %sign3A_42 = arith.constant 0 : i32
    %sign3A_43 = arith.cmpi sgt, %jit3A_30, %sign3A_42 : i32
    %sign3A_44 = arith.extui %sign3A_43 : i1 to i32
    %sign3A_45 = arith.constant 0 : i32
    %sign3A_46 = arith.cmpi slt, %jit3A_30, %sign3A_45 : i32
    %sign3A_47 = arith.extui %sign3A_46 : i1 to i32
    %sign3A_48 = arith.subi %sign3A_44, %sign3A_47 : i32
    %ne3A_49 = vector.broadcast %sign3A_48 : i32 to vector<1568x14xi32>
    %ne3A_50 = arith.cmpi ne, %sign3A_41, %ne3A_49 : vector<1568x14xi32>
    %rem3A_51 = vector.broadcast %jit3A_30 : i32 to vector<1568x14xi32>
    %rem3A_52 = arith.remsi %iota3A_28, %rem3A_51 : vector<1568x14xi32>
    %ne3A_53 = arith.constant 0 : i32
    %ne3A_54 = vector.broadcast %ne3A_53 : i32 to vector<1568x14xi32>
    %ne3A_55 = arith.cmpi ne, %rem3A_52, %ne3A_54 : vector<1568x14xi32>
    %and3A_56 = arith.andi %ne3A_50, %ne3A_55 : vector<1568x14xi1>
    %sub3A_57 = arith.constant 1 : i32
    %sub3A_58 = vector.broadcast %sub3A_57 : i32 to vector<1568x14xi32>
    %sub3A_59 = arith.subi %div3A_32, %sub3A_58 : vector<1568x14xi32>
    %select_n3A_60 = arith.select %and3A_56, %sub3A_59, %div3A_32 : vector<1568x14xi1>, vector<1568x14xi32>
    %jit3A_61 = arith.constant 14 : i32
    %eq3A_62 = arith.constant 0 : i32
    %eq3A_63 = arith.cmpi eq, %jit3A_61, %eq3A_62 : i32
    %jit3A_64 = arith.constant 1 : i32
    %select_n3A_65 = arith.select %eq3A_63, %jit3A_64, %jit3A_61 : i32
    %rem3A_66 = vector.broadcast %select_n3A_65 : i32 to vector<1568x14xi32>
    %rem3A_67 = arith.remsi %select_n3A_60, %rem3A_66 : vector<1568x14xi32>
    %ne3A_68 = arith.constant 0 : i32
    %ne3A_69 = vector.broadcast %ne3A_68 : i32 to vector<1568x14xi32>
    %ne3A_70 = arith.cmpi ne, %rem3A_67, %ne3A_69 : vector<1568x14xi32>
    %lt3A = arith.constant 0 : i32
    %lt3A_71 = vector.broadcast %lt3A : i32 to vector<1568x14xi32>
    %lt3A_72 = arith.cmpi slt, %rem3A_67, %lt3A_71 : vector<1568x14xi32>
    %lt3A_73 = arith.constant 0 : i32
    %lt3A_74 = arith.cmpi slt, %select_n3A_65, %lt3A_73 : i32
    %ne3A_75 = vector.broadcast %lt3A_74 : i1 to vector<1568x14xi1>
    %ne3A_76 = vector.broadcast %ne3A_75 : vector<1568x14xi1> to vector<1568x14xi1>
    %ne3A_77 = arith.xori %lt3A_72, %ne3A_76 : vector<1568x14xi1>
    %and3A_78 = arith.andi %ne3A_77, %ne3A_70 : vector<1568x14xi1>
    %add3A = vector.broadcast %select_n3A_65 : i32 to vector<1568x14xi32>
    %add3A_79 = arith.addi %rem3A_67, %add3A : vector<1568x14xi32>
    %select_n3A_80 = arith.select %and3A_78, %add3A_79, %rem3A_67 : vector<1568x14xi1>, vector<1568x14xi32>
    %eq3A_81 = arith.cmpi eq, %select_n3A_80, %iota3A_29 : vector<1568x14xi32>
    %convert_element_type3A_82 = arith.extui %eq3A_81 : vector<1568x14xi1> to vector<1568x14xi32>
    %convert_element_type3A_83 = arith.sitofp %convert_element_type3A_82 : vector<1568x14xi32> to vector<1568x14xf32>
    %get3A_84 = arith.constant 0 : index
    %get3A_85 = arith.constant 0 : index
    %get3A_86 = vector.load %arg1[%get3A_84, %get3A_85] : memref<14x768xf32, #tpu.memory_space<vmem>>, vector<14x768xf32>
    %dot_general3A_87 = arith.constant dense<0.000000e+00> : vector<1568x768xf32>
    %dot_general3A_88 = tpu.matmul %convert_element_type3A_83, %get3A_86, %dot_general3A_87 {dimension_numbers = #tpu.dot_dimension_numbers<[1], [0], [0], [1], [0, 0, 1, 1], [], []>, transpose_lhs_hint = false} : vector<1568x14xf32>, vector<14x768xf32>, vector<1568x768xf32> -> vector<1568x768xf32>
    %add3A_89 = arith.addf %dot_general3A_27, %dot_general3A_88 : vector<1568x768xf32>
    %iota3A_90 = tpu.iota {dimensions = array<i32: 0>} : vector<1568x14xi32>
    %iota3A_91 = tpu.iota {dimensions = array<i32: 1>} : vector<1568x14xi32>
    %jit3A_92 = arith.constant 14 : i32
    %eq3A_93 = arith.constant 0 : i32
    %eq3A_94 = arith.cmpi eq, %jit3A_92, %eq3A_93 : i32
    %jit3A_95 = arith.constant 1 : i32
    %select_n3A_96 = arith.select %eq3A_94, %jit3A_95, %jit3A_92 : i32
    %rem3A_97 = vector.broadcast %select_n3A_96 : i32 to vector<1568x14xi32>
    %rem3A_98 = arith.remsi %iota3A_90, %rem3A_97 : vector<1568x14xi32>
    %ne3A_99 = arith.constant 0 : i32
    %ne3A_100 = vector.broadcast %ne3A_99 : i32 to vector<1568x14xi32>
    %ne3A_101 = arith.cmpi ne, %rem3A_98, %ne3A_100 : vector<1568x14xi32>
    %lt3A_102 = arith.constant 0 : i32
    %lt3A_103 = vector.broadcast %lt3A_102 : i32 to vector<1568x14xi32>
    %lt3A_104 = arith.cmpi slt, %rem3A_98, %lt3A_103 : vector<1568x14xi32>
    %lt3A_105 = arith.constant 0 : i32
    %lt3A_106 = arith.cmpi slt, %select_n3A_96, %lt3A_105 : i32
    %ne3A_107 = vector.broadcast %lt3A_106 : i1 to vector<1568x14xi1>
    %ne3A_108 = vector.broadcast %ne3A_107 : vector<1568x14xi1> to vector<1568x14xi1>
    %ne3A_109 = arith.xori %lt3A_104, %ne3A_108 : vector<1568x14xi1>
    %and3A_110 = arith.andi %ne3A_109, %ne3A_101 : vector<1568x14xi1>
    %add3A_111 = vector.broadcast %select_n3A_96 : i32 to vector<1568x14xi32>
    %add3A_112 = arith.addi %rem3A_98, %add3A_111 : vector<1568x14xi32>
    %select_n3A_113 = arith.select %and3A_110, %add3A_112, %rem3A_98 : vector<1568x14xi1>, vector<1568x14xi32>
    %eq3A_114 = arith.cmpi eq, %select_n3A_113, %iota3A_91 : vector<1568x14xi32>
    %convert_element_type3A_115 = arith.extui %eq3A_114 : vector<1568x14xi1> to vector<1568x14xi32>
    %convert_element_type3A_116 = arith.sitofp %convert_element_type3A_115 : vector<1568x14xi32> to vector<1568x14xf32>
    %get3A_117 = arith.constant 0 : index
    %get3A_118 = arith.constant 0 : index
    %get3A_119 = vector.load %arg2[%get3A_117, %get3A_118] : memref<14x768xf32, #tpu.memory_space<vmem>>, vector<14x768xf32>
    %dot_general3A_120 = arith.constant dense<0.000000e+00> : vector<1568x768xf32>
    %dot_general3A_121 = tpu.matmul %convert_element_type3A_116, %get3A_119, %dot_general3A_120 {dimension_numbers = #tpu.dot_dimension_numbers<[1], [0], [0], [1], [0, 0, 1, 1], [], []>, transpose_lhs_hint = false} : vector<1568x14xf32>, vector<14x768xf32>, vector<1568x768xf32> -> vector<1568x768xf32>
    %add3A_122 = arith.addf %add3A_89, %dot_general3A_121 : vector<1568x768xf32>
    %reduce_sum3A = arith.constant dense<0.000000e+00> : vector<1568xf32>
    %reduce_sum3A_123 = vector.multi_reduction <add>, %add3A_122, %reduce_sum3A [1] : vector<1568x768xf32> to vector<1568xf32>
    %broadcast_in_dim3A = vector.shape_cast %reduce_sum3A_123 : vector<1568xf32> to vector<1568x1xf32>
    %div3A_124 = arith.constant 7.680000e+02 : f32
    %div3A_125 = vector.broadcast %div3A_124 : f32 to vector<1568x1xf32>
    %div3A_126 = arith.divf %broadcast_in_dim3A, %div3A_125 : vector<1568x1xf32>
    %sub3A_127 = vector.broadcast %div3A_126 : vector<1568x1xf32> to vector<1568x768xf32>
    %sub3A_128 = arith.subf %add3A_122, %sub3A_127 : vector<1568x768xf32>
    %mul3A = arith.mulf %sub3A_128, %sub3A_128 : vector<1568x768xf32>
    %reduce_sum3A_129 = arith.constant dense<0.000000e+00> : vector<1568xf32>
    %reduce_sum3A_130 = vector.multi_reduction <add>, %mul3A, %reduce_sum3A_129 [1] : vector<1568x768xf32> to vector<1568xf32>
    %broadcast_in_dim3A_131 = vector.shape_cast %reduce_sum3A_130 : vector<1568xf32> to vector<1568x1xf32>
    %div3A_132 = arith.constant 7.680000e+02 : f32
    %div3A_133 = vector.broadcast %div3A_132 : f32 to vector<1568x1xf32>
    %div3A_134 = arith.divf %broadcast_in_dim3A_131, %div3A_133 : vector<1568x1xf32>
    %add3A_135 = arith.constant 9.99999997E-7 : f32
    %add3A_136 = vector.broadcast %add3A_135 : f32 to vector<1568x1xf32>
    %add3A_137 = arith.addf %div3A_134, %add3A_136 : vector<1568x1xf32>
    %rsqrt3A = math.rsqrt %add3A_137 : vector<1568x1xf32>
    %mul3A_138 = vector.broadcast %rsqrt3A : vector<1568x1xf32> to vector<1568x768xf32>
    %mul3A_139 = arith.mulf %sub3A_128, %mul3A_138 : vector<1568x768xf32>
    %get3A_140 = arith.constant 0 : index
    %get3A_141 = arith.constant 0 : index
    %get3A_142 = vector.load %arg3[%get3A_140, %get3A_141] : memref<1x768xf32, #tpu.memory_space<vmem>>, vector<1x768xf32>
    %mul3A_143 = vector.broadcast %get3A_142 : vector<1x768xf32> to vector<1568x768xf32>
    %mul3A_144 = arith.mulf %mul3A_139, %mul3A_143 : vector<1568x768xf32>
    %get3A_145 = arith.constant 0 : index
    %get3A_146 = arith.constant 0 : index
    %get3A_147 = vector.load %arg4[%get3A_145, %get3A_146] : memref<1x768xf32, #tpu.memory_space<vmem>>, vector<1x768xf32>
    %add3A_148 = vector.broadcast %get3A_147 : vector<1x768xf32> to vector<1568x768xf32>
    %add3A_149 = arith.addf %mul3A_144, %add3A_148 : vector<1568x768xf32>
    %swap3A = arith.constant 0 : index
    %swap3A_150 = arith.constant 0 : index
    %swap3A_151 = vector.load %arg5[%swap3A, %swap3A_150] : memref<1568x768xf32, #tpu.memory_space<vmem>>, vector<1568x768xf32>
    tpu.vector_store %arg5[%swap3A, %swap3A_150], %add3A_149 {strides = array<i32>} : memref<1568x768xf32, #tpu.memory_space<vmem>>, vector<1568x768xf32>,
    return
  }
}

</mosaic_0001>

<sc_bundles>
// kernel: kernel.4.cloned.1.call-start
scs
__scs_entry_jumppad:
0x0: {  	(pc) =	sbr.rel $0x88, $3  }
0x1: {  	(tag) =	ssettag $0x0;
	lr =	simm.s32 $0x1  }
0x2: {  	[smem:$0x3F9B] =	sst lr;
	_ =	strace $0xD0000000  }
0x3: {  	_ = 	snop  }
0x4: {  	_ = 	snop  }
0x5: {  	_ = 	snop  }
0x6: {  	_ = 	snop  }
0x7: {  	_ = 	snop  }
__scs_overlays_trampoline_lowered:
0x8: {  	[smem:$0x3FAA] =	sst s0  }
0x9: {  	[smem:$0x3FAB] =	sst s1  }
0xa: {  	[smem:$0x3FAC] =	sst s2  }
0xb: {  	[smem:$0x3FAD] =	sst s3  }
0xc: {  	[smem:$0x3FAE] =	sst s4  }
0xd: {  	[smem:$0x3FAF] =	sst s5  }
0xe: {  	[smem:$0x3FB0] =	sst s6  }
0xf: {  	[smem:$0x3FB1] =	sst s7  }
0x10: {  	[smem:$0x3FB2] =	sst s8  }
0x11: {  	[smem:$0x3FB3] =	sst s9;
	s0 =	simm.s32 @!p0 $0x0  }
0x12: {  	s1 =	sld [smem:$0x3F99];
	s0 =	simm.s32 @p0 $0x1  }
0x13: {  	[smem:$0x3FB4] =	sst s0;
	s0 =	simm.s32 @!p1 $0x0  }
0x14: {  	s2 =	sld [smem:$0x3F98];
	s0 =	simm.s32 @p1 $0x1  }
0x15: {  	[smem:$0x3FB5] =	sst s0;
	s0 =	simm.s32 @!p2 $0x0  }
0x16: {  	s3 =	sld [smem:$0x3FDB];
	s0 =	simm.s32 @p2 $0x1  }
0x17: {  	s4 =	simm.s32 $0x1BF5;
	[smem:$0x3FB7] =	sst s0  }
0x18: {  	s0 =	sld [smem:$0x3F9A];
	_ =	swait.ge [sflag:s4], $0x0  }
0x19: {  	s7 =	sld [smem:$0x3F9B]  }
0x1a: {  	s8 =	sadd.s32 $0xFFFFE003, lr  }
0x1b: {  	s9 =	sadd.s32 $0xFFFFFEF7, lr;
	s5 =	simm.s32 $0xFFFFFFFF;
	p2 =	slt.u32 s8, $0xFFFFF086  }
0x1c: {  	p1 =	slt.u32 s9, $0xF7A;
	s5 =	simm.s32 @!p2 $0x0  }
0x1d: {  	s5 =	simm.s32 @p1 $0x1;
	p0 =	seq.s32 s7, s2  }
0x1e: {  	s7 =	smul.u32 @!p0 $0xF7A, s2;
	p2 =	seq.s32 @!p0 s5, $0x0  }
0x1f: {  	s9 =	smul.u32 $0xF7A, s1;
	s8 =	simm.s32 @!p0 $0x1BF5;
	p2 =	por !p2, p0  }
0x20: {  	[sflag:s8] =	ssyncset.s32 @!p0 $0xFFFFF086;
	s6 =	sadd.s32 @!p0 s3, s7;
	s7 =	simm.s32 @!p0 $0x108  }
0x21: {  	s3 =	sadd.s32 s3, s9;
	s6 =	sadd.s32 @!p0 $0x88, s6;
	s7 =	simm.s32 @p2 $0x1082  }
0x22: {  	[simem:s7], [sflag:s8] =	dma.local @!p0 [hbm:s6], $0xF7A  }
0x23: {  	s9 =	sor.u32 $0xD0000000, s2;
	s6 =	simm.s32 $0x108;
	_ =	swait.ge @!p0 [sflag:s8], $0x0  }
0x24: {  	s3 =	sadd.s32 $0x88, s3;
	s6 =	simm.s32 @!p1 $0x1082;
	[sflag:s4] =	ssyncset.s32 $0xFFFFF086  }
0x25: {  	[simem:s6], [sflag:s4] =	dma.local [hbm:s3], $0xF7A  }
0x26: {  	[smem:$0x3F9B] =	sst s1;
	(tag) =	ssettag s2;
	_ =	strace s9  }
0x27: {  	s1 =	sld [smem:$0x3FAB]  }
0x28: {  	s2 =	sld [smem:$0x3FAC]  }
0x29: {  	s4 =	sld [smem:$0x3FAE]  }
0x2a: {  	p0 =	seq.s32 s5, $0x0;
	s5 =	sld [smem:$0x3FAF]  }
0x2b: {  	s6 =	sld [smem:$0x3FB0]  }
0x2c: {  	s7 =	sld [smem:$0x3FB1]  }
0x2d: {  	s3 =	simm.s32 $0x108;
	s8 =	sld [smem:$0x3FB2]  }
0x2e: {  	s3 =	simm.s32 @!p0 $0x1082;
	s9 =	sld [smem:$0x3FB3]  }
0x2f: {  	lr =	sadd.s32 s0, s3;
	s0 =	sld [smem:$0x3FAA]  }
0x30: {  	s3 =	sld [smem:$0x3FAD]  }
0x31: {  	[smem:$0x3FB6] =	sst s10  }
0x32: {  	s10 =	sld [smem:$0x3FB4];
	_ =	sdelay $0x3  }
0x33: {  	p0 =	seq.s32 s10, $0x1;
	s10 =	sld [smem:$0x3FB6];
	_ =	sdelay $0x3  }
0x34: {  	[smem:$0x3FB6] =	sst s10  }
0x35: {  	s10 =	sld [smem:$0x3FB5];
	_ =	sdelay $0x3  }
0x36: {  	p1 =	seq.s32 s10, $0x1;
	s10 =	sld [smem:$0x3FB6];
	_ =	sdelay $0x3  }
0x37: {  	[smem:$0x3FB6] =	sst s10  }
0x38: {  	s10 =	sld [smem:$0x3FB7]  }
0x39: {  	_ = 	snop;
	(pc) =	sbr.ind lr, $3  }
0x3a: {  	_ = 	snop  }
0x3b: {  	_ = 	snop  }
0x3c: {  	p2 =	seq.s32 s10, $0x1;
	s10 =	sld [smem:$0x3FB6]  }
0x3d: {  	_ =	shalt  }
0x3e: {  	_ =	shalt  }
0x3f: {  	_ =	shalt  }
0x40: {  	_ =	shalt  }
0x41: {  	_ =	shalt  }
0x42: {  	_ =	shalt  }
0x43: {  	_ =	shalt  }
0x44: {  	_ =	shalt  }
0x45: {  	_ =	shalt  }
0x46: {  	_ =	shalt  }
0x47: {  	_ =	shalt  }
0x48: {  	_ =	shalt  }
0x49: {  	_ =	shalt  }
0x4a: {  	_ =	shalt  }
0x4b: {  	_ =	shalt  }
0x4c: {  	_ =	shalt  }
0x4d: {  	_ =	shalt  }
0x4e: {  	_ =	shalt  }
0x4f: {  	_ =	shalt  }
0x50: {  	_ =	shalt  }
0x51: {  	_ =	shalt  }
0x52: {  	_ =	shalt  }
0x53: {  	_ =	shalt  }
0x54: {  	_ =	shalt  }
0x55: {  	_ =	shalt  }
0x56: {  	_ =	shalt  }
0x57: {  	_ =	shalt  }
0x58: {  	_ =	shalt  }
0x59: {  	_ =	shalt  }
0x5a: {  	_ =	shalt  }
0x5b: {  	_ =	shalt  }
0x5c: {  	_ =	shalt  }
0x5d: {  	_ =	shalt  }
0x5e: {  	_ =	shalt  }
0x5f: {  	_ =	shalt  }
0x60: {  	_ =	shalt  }
0x61: {  	_ =	shalt  }
0x62: {  	_ =	shalt  }
0x63: {  	_ =	shalt  }
0x64: {  	_ =	shalt  }
0x65: {  	_ =	shalt  }
0x66: {  	_ =	shalt  }
0x67: {  	_ =	shalt  }
0x68: {  	_ =	shalt  }
0x69: {  	_ =	shalt  }
0x6a: {  	_ =	shalt  }
0x6b: {  	_ =	shalt  }
0x6c: {  	_ =	shalt  }
0x6d: {  	_ =	shalt  }
0x6e: {  	_ =	shalt  }
0x6f: {  	_ =	shalt  }
0x70: {  	_ =	shalt  }
0x71: {  	_ =	shalt  }
0x72: {  	_ =	shalt  }
0x73: {  	_ =	shalt  }
0x74: {  	_ =	shalt  }
0x75: {  	_ =	shalt  }
0x76: {  	_ =	shalt  }
0x77: {  	_ =	shalt  }
0x78: {  	_ =	shalt  }
0x79: {  	_ =	shalt  }
0x7a: {  	_ =	shalt  }
0x7b: {  	_ =	shalt  }
0x7c: {  	_ =	shalt  }
0x7d: {  	_ =	shalt  }
0x7e: {  	_ =	shalt  }
0x7f: {  	_ =	shalt  }
0x80: {  	_ =	shalt  }
0x81: {  	_ =	shalt  }
0x82: {  	_ =	shalt  }
0x83: {  	_ =	shalt  }
0x84: {  	_ =	shalt  }
0x85: {  	_ =	shalt  }
0x86: {  	_ =	shalt  }
0x87: {  	_ =	shalt  }
.Lfunc_end0:
.L_simem_size_0:
called_computation.2_lowered:
.L_overlay_start_0:
0x88: {  	s2 =	sld [smem:$0x3FD9]  }
0x89: {  	s3 =	sld [smem:$0x3FFE];
	_ =	sdelay $0x1  }
0x8a: {  	s1 =	srdreg.scid  }
0x8b: {  	s0 =	sand.u32 $0x1, s1  }
0x8c: {  	s17 =	sshll.u32 s0, $0xA;
	s2 =	sadd.s32 s3, s2  }
0x8d: {  	s2 =	sadd.s32 s2, s17  }
0x8e: {  	[smem:$0x3FC2] =	sst s2  }
0x8f: {  	_ = 	snop  }
0x90: {  	s2 =	sld [smem:$0x3FD0];
	(tm) =	ssettm $0x1  }
0x91: {  	s18 =	sld [smem:$0x3FFB];
	_ =	sdelay $0x3  }
0x92: {  	_ =	strace s18  }
0x93: {  	s3 =	sld [smem:$0x3FFC];
	_ =	sdelay $0x3  }
0x94: {  	_ =	strace s3  }
0x95: {  	s3 =	sld [smem:$0x3FFD];
	_ =	sdelay $0x3  }
0x96: {  	_ =	strace s3  }
0x97: {  	_ =	strace $0x8FFFFFFF  }
0x98: {  	s19 =	sld [smem:$0x3FDB];
	_ =	sdelay $0x1  }
0x99: {  	s4 =	simm.s32 $_scs_section_size  }
0x9a: {  	s5 =	simm.s32 $_size__tile_overlayer_lowered;
	s6 =	simm.s32 $_tile_overlayer_lowered  }
0x9b: {  	s22 =	simm.s32 $0x1BFF;
	s21 =	sshll.u32 s6, $0x1;
	s3 =	sadd.s32 s4, s19  }
0x9c: {  	s7 =	simm.s32 $0x0;
	s20 =	sshll.u32 s5, $0x1;
	s5 =	sadd.s32 s21, s3  }
0x9d: {  	[timem:s7], [sflag:s22] =	dma.local [hbm:s5], s20  }
0x9e: {  	_ =	swait.ge [sflag:s22], s20  }
0x9f: {  	s4 =	ssub.s32 $0x0, s20;
	[sflag:s22] =	ssyncset.done $0x0  }
0xa0: {  	[sflag:s22] =	ssyncadd.s32 s4;
	_ =	sdelay $0x1  }
0xa1: {  	s23 =	simm.s32 $0x1B8B  }
0xa2: {  	_ =	swait.ge [sflag:s23], $0x1  }
0xa3: {  	[sflag:s23] =	ssyncset.done $0x0  }
0xa4: {  	s25 =	simm.s32 $0x1B8E;
	s24 =	sld [smem:$0x3FFE];
	[sflag:s23] =	ssyncadd.s32 $0xFFFFFFFF  }
0xa5: {  	s26 =	simm.s32 $execute0_lowered;
	[smem:$0x3FD2] =	sst s25  }
0xa6: {  	s5 =	sshll.u32 s26, $0x1;
	_ =	strace $0x80000049;
	[dreg:$0x1] =	wrdreg $0xFFFFFFFF  }
0xa7: {  	s28 =	simm.s32 $_size_execute0_lowered;
	s3 =	sadd.s32 s3, s5;
	[dreg:$0x0] =	wrdreg $0x0  }
0xa8: {  	s5 =	sshll.u32 s28, $0x1;
	[dreg:$0x2] =	wrdreg s3  }
0xa9: {  	[dreg:$0x3] =	wrdreg s5  }
0xaa: {  	[dreg:$0x4] =	wrdreg $0xC0  }
0xab: {  	_ =	task [dreg:s7], $0x5FFFF  }
0xac: {  	[dreg:$0x1] =	wrdreg $0xFFFFFFFF  }
0xad: {  	[dreg:$0x0] =	wrdreg $0x60  }
0xae: {  	[dreg:$0x2] =	wrdreg s2  }
0xaf: {  	[dreg:$0x3] =	wrdreg s24  }
0xb0: {  	[dreg:$0x4] =	wrdreg $0x9  }
0xb1: {  	_ =	task.clear_ibuf [dreg:s7], $0x5FFFF;
	_ =	strace $0x90000049  }
0xb2: {  	s29 =	simm.s32 $0x9;
	_ =	strace $0x8000004B  }
0xb3: {  	_ =	swait.ge [sflag:s29], $0x1  }
0xb4: {  	[sflag:s29] =	ssyncadd.s32 $0xFFFFFFFF  }
0xb5: {  	_ =	strace $0x9000004B  }
0xb6: {  	_ =	sfence  }
0xb7: {  	s30 =	sld [smem:$0x0];
	_ =	sdelay $0x2  }
0xb8: {  	s31 =	sshll.u32 s1, $0xD;
	s1 =	sshrl.u32 s1, $0x2  }
0xb9: {  	s3 =	sand.u32 $0x4000, s31;
	s1 =	sadd.s32 s1, s30  }
0xba: {  	s0 =	sor.u32 s3, s0;
	s1 =	sshll.u32 s1, $0x11  }
0xbb: {  	s0 =	sor.u32 s1, s0  }
0xbc: {  	s0 =	sadd.s32 $0x8F2B, s0  }
0xbd: {  	[sflag:s0] =	ssyncadd.remote.s32 $0x1  }
0xbe: {  	_ =	sfence.sel $0xFFFF  }
0xbf: {  	[dreg:$0x0] =	wrdreg $0xFFFFFFFF;
	(pc) =	sbr.abs _section_cstart, $3  }
0xc0: {  	[dreg:$0x1] =	wrdreg $0xFFFFFFFF  }
0xc1: {  	_ =	task.clear_ibuf [dreg:s7], $0x2FFFF;
	_ =	strace $0x9FFFFFFF  }
0xc2: {  	(tm) =	ssettm $0x7FFFFFFF  }
0xc3: {  	_ =	shalt  }
tec
execute0_lowered:
.L_overlay_start_1:
0x0: {  	(tag) =	ssettag $0x1  }
0x1: {  	s0 =	rddreg [dreg:$0x0];
	s1 =	srdreg.scid  }
0x2: {  	s3 =	stileid.u32;
	s2 =	rddreg [dreg:$0x1]  }
0x3: {  	s4 =	simm.s32 $0x0;
	s21 =	simm.s32 $0x5;
	s22 =	simm.s32 $0x80  }
0x4: {  	s23 =	simm.s32 $0x400;
	s28 =	simm.s32 $0x3;
	s29 =	simm.s32 $0x2  }
0x5: {  	s30 =	simm.s32 $0x4;
	s1 =	sand.u32 $0x1, s1;
	s3 =	sshll.u32 s3, $0x1  }
0x6: {  	s31 =	simm.s32 $0x0;
	s3 =	sor.u32 s1, s3;
	s1 =	ssub.s32 $0x2, s1  }
0x7: {  	[smem:$0x7FF] =	sst s4;
	s24 =	smul.u32 $0x1260, s3;
	s26 =	sshrl.u32 s1, $0x1  }
0x8: {  	_ =	strace $0x8000004A;
	s16 =	smul.u32 $0x9300, s3;
	s1 =	ssub.s32 s1, s26  }
0x9: {  	s26 =	simm.s32 $0x1;
	s25 =	sadd.s32 s24, s2;
	s2 =	sadd.s32 $0x26200, s2  }
0xa: {  	s8 =	sor.u32 $0x10, s16;
	s4 =	sadd.s32 s0, s16;
	s10 =	sor.u32 $0x20, s16  }
0xb: {  	s12 =	sor.u32 $0x30, s16;
	s14 =	sor.u32 $0x40, s16;
	s17 =	sor.u32 $0x50, s16  }
0xc: {  	s18 =	sor.u32 $0x60, s16;
	s19 =	sor.u32 $0x70, s16;
	s20 =	smax.u32 s1, $0x1  }
0xd: {  	s24 =	simm.s32 $0x9300;
	s3 =	sadd.s32 $0x1600, s25;
	s5 =	sadd.s32 s0, s8  }
0xe: {  	s6 =	sadd.s32 s2, s16;
	s7 =	sadd.s32 s0, s10;
	s8 =	sadd.s32 s2, s8  }
0xf: {  	s9 =	sadd.s32 s0, s12;
	s10 =	sadd.s32 s2, s10;
	s11 =	sadd.s32 s0, s14  }
0x10: {  	s12 =	sadd.s32 s2, s12;
	s13 =	sadd.s32 s0, s17;
	s14 =	sadd.s32 s2, s14  }
0x11: {  	s15 =	sadd.s32 s0, s18;
	s16 =	sadd.s32 s2, s17;
	s17 =	sadd.s32 s0, s19  }
0x12: {  	s18 =	sadd.s32 s2, s18;
	s19 =	sadd.s32 s2, s19;
	s25 =	simm.s32 $0x12600  }
.LBB2_1:
0x13: {  	s0 =	simm.s32 $0x0  }
0x14: {  	[tilespmem:s0], [sflag:$0x5] =	stream.linear.gather [hbm4b:s3+s0], $0x9300, $0x38;
	[tilespmem:$0x1B900] =	vst v63  }
0x15: {  	_ =	swait.ge [sflag:s21], $0x9300  }
0x16: {  	[sflag:s21] =	ssyncset.done $0x0  }
0x17: {  	[sflag:s21] =	ssyncadd.s32 $0xFFFF6D00  }
0x18: {  	[tilespmem:s24], [sflag:$0x1] =	stream.strided.gather [hbm4b:s4+s22], $0x9300, s23, s22, $0x38;
	[tilespmem:$0x1B900] =	vst v63  }
0x19: {  	_ = 	snop  }
0x1a: {  	[tilespmem:s25], [sflag:$0x2] =	stream.strided.gather [hbm4b:s5+s22], $0x9300, s23, s22, $0x38;
	[tilespmem:$0x1B900] =	vst v63  }
0x1b: {  	_ =	swait.ge [sflag:s26], $0x9300  }
0x1c: {  	[sflag:s26] =	ssyncset.done $0x0  }
0x1d: {  	s1 =	simm.s32 $0x0;
	[sflag:s26] =	ssyncadd.s32 $0xFFFF6D00  }
0x1e: {  	v0 =	vld [tilespmem:s1+$0x70]  }
0x1f: {  	v1 =	vld [tilespmem:s1+$0x0]  }
0x20: {  	v2 =	vld [tilespmem:s1+$0x10]  }
0x21: {  	v3 =	vld [tilespmem:s1+$0x20]  }
0x22: {  	v4 =	vld [tilespmem:s1+$0x30]  }
0x23: {  	v5 =	vld [tilespmem:s1+$0x40]  }
0x24: {  	v6 =	vld [tilespmem:s1+$0x50]  }
0x25: {  	[tilespmem:s1+$0x9370] =	vst.add.f32.msk $0xffff, v0  }
0x26: {  	v0 =	vld [tilespmem:s1+$0x60]  }
0x27: {  	[tilespmem:s1+$0x9300] =	vst.add.f32.msk $0xffff, v1  }
0x28: {  	[tilespmem:s1+$0x9310] =	vst.add.f32.msk $0xffff, v2  }
0x29: {  	[tilespmem:s1+$0x9320] =	vst.add.f32.msk $0xffff, v3  }
0x2a: {  	[tilespmem:s1+$0x9330] =	vst.add.f32.msk $0xffff, v4  }
0x2b: {  	[tilespmem:s1+$0x9340] =	vst.add.f32.msk $0xffff, v5  }
0x2c: {  	s2 =	simm.s32 $0x200;
	s0 =	simm.s32 $0x0;
	[tilespmem:s1+$0x9350] =	vst.add.f32.msk $0xffff, v6  }
.LBB2_2:
0x2d: {  	s0 =	sadd.s32 $0x80, s0;
	[tilespmem:s1+$0x9360] =	vst.add.f32.msk $0xffff, v0;
	s1 =	sshra.s32 s2, $0x2  }
0x2e: {  	v0 =	vld [tilespmem:s1+$0x70];
	p0 =	slt.u32 s0, $0x9280  }
0x2f: {  	v1 =	vld [tilespmem:s1+$0x0]  }
0x30: {  	v2 =	vld [tilespmem:s1+$0x10]  }
0x31: {  	v3 =	vld [tilespmem:s1+$0x20]  }
0x32: {  	v4 =	vld [tilespmem:s1+$0x30]  }
0x33: {  	[tilespmem:s1+$0x9370] =	vst.add.f32.msk $0xffff, v0  }
0x34: {  	v5 =	vld [tilespmem:s1+$0x40]  }
0x35: {  	v6 =	vld [tilespmem:s1+$0x50]  }
0x36: {  	v0 =	vld [tilespmem:s1+$0x60]  }
0x37: {  	[tilespmem:s1+$0x9300] =	vst.add.f32.msk $0xffff, v1  }
.Ltmp0:
0x38: {  	[tilespmem:s1+$0x9310] =	vst.add.f32.msk $0xffff, v2;
	(pc) =	sbr.rel @p0 .LBB2_2-.Ltmp0, $4  }
0x39: {  	[tilespmem:s1+$0x9320] =	vst.add.f32.msk $0xffff, v3  }
0x3a: {  	[tilespmem:s1+$0x9330] =	vst.add.f32.msk $0xffff, v4  }
0x3b: {  	[tilespmem:s1+$0x9340] =	vst.add.f32.msk $0xffff, v5  }
0x3c: {  	s2 =	sadd.s32 $0x200, s2;
	[tilespmem:s1+$0x9350] =	vst.add.f32.msk $0xffff, v6  }
0x3d: {  	[tilespmem:s1+$0x9360] =	vst.add.f32.msk $0xffff, v0  }
0x3e: {  	[hbm4b:s6+s22] =	stream.strided.scatter [tilespmem:s24], [sflag:$0x3], $0x9300, s23, s22, $0x38;
	[tilespmem:$0x1B900] =	vst v63  }
0x3f: {  	_ =	swait.ge [sflag:s28], $0x9300  }
0x40: {  	[sflag:s28] =	ssyncset.done $0x0  }
0x41: {  	[sflag:s28] =	ssyncadd.s32 $0xFFFF6D00  }
0x42: {  	[tilespmem:s24], [sflag:$0x1] =	stream.strided.gather [hbm4b:s7+s22], $0x9300, s23, s22, $0x38;
	[tilespmem:$0x1B900] =	vst v63  }
0x43: {  	_ =	swait.ge [sflag:s29], $0x9300  }
0x44: {  	[sflag:s29] =	ssyncset.done $0x0  }
0x45: {  	s1 =	simm.s32 $0x0;
	[sflag:s29] =	ssyncadd.s32 $0xFFFF6D00  }
0x46: {  	v0 =	vld [tilespmem:s1+$0x70]  }
0x47: {  	v1 =	vld [tilespmem:s1+$0x0]  }
0x48: {  	v2 =	vld [tilespmem:s1+$0x10]  }
0x49: {  	v3 =	vld [tilespmem:s1+$0x20]  }
0x4a: {  	v4 =	vld [tilespmem:s1+$0x30]  }
0x4b: {  	v5 =	vld [tilespmem:s1+$0x40]  }
0x4c: {  	v6 =	vld [tilespmem:s1+$0x50]  }
0x4d: {  	[tilespmem:s1+$0x12670] =	vst.add.f32.msk $0xffff, v0  }
0x4e: {  	v0 =	vld [tilespmem:s1+$0x60]  }
0x4f: {  	[tilespmem:s1+$0x12600] =	vst.add.f32.msk $0xffff, v1  }
0x50: {  	[tilespmem:s1+$0x12610] =	vst.add.f32.msk $0xffff, v2  }
0x51: {  	[tilespmem:s1+$0x12620] =	vst.add.f32.msk $0xffff, v3  }
0x52: {  	[tilespmem:s1+$0x12630] =	vst.add.f32.msk $0xffff, v4  }
0x53: {  	[tilespmem:s1+$0x12640] =	vst.add.f32.msk $0xffff, v5  }
0x54: {  	s0 =	simm.s32 $0x0;
	s2 =	simm.s32 $0x200;
	[tilespmem:s1+$0x12650] =	vst.add.f32.msk $0xffff, v6  }
.LBB2_4:
0x55: {  	s0 =	sadd.s32 $0x80, s0;
	[tilespmem:s1+$0x12660] =	vst.add.f32.msk $0xffff, v0;
	s1 =	sshra.s32 s2, $0x2  }
0x56: {  	v0 =	vld [tilespmem:s1+$0x70];
	p0 =	slt.u32 s0, $0x9280  }
0x57: {  	v1 =	vld [tilespmem:s1+$0x0]  }
0x58: {  	v2 =	vld [tilespmem:s1+$0x10]  }
0x59: {  	v3 =	vld [tilespmem:s1+$0x20]  }
0x5a: {  	v4 =	vld [tilespmem:s1+$0x30]  }
0x5b: {  	[tilespmem:s1+$0x12670] =	vst.add.f32.msk $0xffff, v0  }
0x5c: {  	v5 =	vld [tilespmem:s1+$0x40]  }
0x5d: {  	v6 =	vld [tilespmem:s1+$0x50]  }
0x5e: {  	v0 =	vld [tilespmem:s1+$0x60]  }
0x5f: {  	[tilespmem:s1+$0x12600] =	vst.add.f32.msk $0xffff, v1  }
.Ltmp1:
0x60: {  	[tilespmem:s1+$0x12610] =	vst.add.f32.msk $0xffff, v2;
	(pc) =	sbr.rel @p0 .LBB2_4-.Ltmp1, $4  }
0x61: {  	[tilespmem:s1+$0x12620] =	vst.add.f32.msk $0xffff, v3  }
0x62: {  	[tilespmem:s1+$0x12630] =	vst.add.f32.msk $0xffff, v4  }
0x63: {  	[tilespmem:s1+$0x12640] =	vst.add.f32.msk $0xffff, v5  }
0x64: {  	s2 =	sadd.s32 $0x200, s2;
	[tilespmem:s1+$0x12650] =	vst.add.f32.msk $0xffff, v6  }
0x65: {  	[tilespmem:s1+$0x12660] =	vst.add.f32.msk $0xffff, v0  }
0x66: {  	[hbm4b:s8+s22] =	stream.strided.scatter [tilespmem:s25], [sflag:$0x4], $0x9300, s23, s22, $0x38;
	[tilespmem:$0x1B900] =	vst v63  }
0x67: {  	_ =	swait.ge [sflag:s30], $0x9300  }
0x68: {  	[sflag:s30] =	ssyncset.done $0x0  }
0x69: {  	[sflag:s30] =	ssyncadd.s32 $0xFFFF6D00  }
0x6a: {  	[tilespmem:s25], [sflag:$0x2] =	stream.strided.gather [hbm4b:s9+s22], $0x9300, s23, s22, $0x38;
	[tilespmem:$0x1B900] =	vst v63  }
0x6b: {  	_ =	swait.ge [sflag:s26], $0x9300  }
0x6c: {  	[sflag:s26] =	ssyncset.done $0x0  }
0x6d: {  	s1 =	simm.s32 $0x0;
	[sflag:s26] =	ssyncadd.s32 $0xFFFF6D00  }
0x6e: {  	v0 =	vld [tilespmem:s1+$0x70]  }
0x6f: {  	v1 =	vld [tilespmem:s1+$0x0]  }
0x70: {  	v2 =	vld [tilespmem:s1+$0x10]  }
0x71: {  	v3 =	vld [tilespmem:s1+$0x20]  }
0x72: {  	v4 =	vld [tilespmem:s1+$0x30]  }
0x73: {  	v5 =	vld [tilespmem:s1+$0x40]  }
0x74: {  	v6 =	vld [tilespmem:s1+$0x50]  }
0x75: {  	[tilespmem:s1+$0x9370] =	vst.add.f32.msk $0xffff, v0  }
0x76: {  	v0 =	vld [tilespmem:s1+$0x60]  }
0x77: {  	[tilespmem:s1+$0x9300] =	vst.add.f32.msk $0xffff, v1  }
0x78: {  	[tilespmem:s1+$0x9310] =	vst.add.f32.msk $0xffff, v2  }
0x79: {  	[tilespmem:s1+$0x9320] =	vst.add.f32.msk $0xffff, v3  }
0x7a: {  	[tilespmem:s1+$0x9330] =	vst.add.f32.msk $0xffff, v4  }
0x7b: {  	[tilespmem:s1+$0x9340] =	vst.add.f32.msk $0xffff, v5  }
0x7c: {  	s0 =	simm.s32 $0x0;
	s2 =	simm.s32 $0x200;
	[tilespmem:s1+$0x9350] =	vst.add.f32.msk $0xffff, v6  }
.LBB2_6:
0x7d: {  	s0 =	sadd.s32 $0x80, s0;
	[tilespmem:s1+$0x9360] =	vst.add.f32.msk $0xffff, v0;
	s1 =	sshra.s32 s2, $0x2  }
0x7e: {  	v0 =	vld [tilespmem:s1+$0x70];
	p0 =	slt.u32 s0, $0x9280  }
0x7f: {  	v1 =	vld [tilespmem:s1+$0x0]  }
0x80: {  	v2 =	vld [tilespmem:s1+$0x10]  }
0x81: {  	v3 =	vld [tilespmem:s1+$0x20]  }
0x82: {  	v4 =	vld [tilespmem:s1+$0x30]  }
0x83: {  	[tilespmem:s1+$0x9370] =	vst.add.f32.msk $0xffff, v0  }
0x84: {  	v5 =	vld [tilespmem:s1+$0x40]  }
0x85: {  	v6 =	vld [tilespmem:s1+$0x50]  }
0x86: {  	v0 =	vld [tilespmem:s1+$0x60]  }
0x87: {  	[tilespmem:s1+$0x9300] =	vst.add.f32.msk $0xffff, v1  }
.Ltmp2:
0x88: {  	[tilespmem:s1+$0x9310] =	vst.add.f32.msk $0xffff, v2;
	(pc) =	sbr.rel @p0 .LBB2_6-.Ltmp2, $4  }
0x89: {  	[tilespmem:s1+$0x9320] =	vst.add.f32.msk $0xffff, v3  }
0x8a: {  	[tilespmem:s1+$0x9330] =	vst.add.f32.msk $0xffff, v4  }
0x8b: {  	[tilespmem:s1+$0x9340] =	vst.add.f32.msk $0xffff, v5  }
0x8c: {  	s2 =	sadd.s32 $0x200, s2;
	[tilespmem:s1+$0x9350] =	vst.add.f32.msk $0xffff, v6  }
0x8d: {  	[tilespmem:s1+$0x9360] =	vst.add.f32.msk $0xffff, v0  }
0x8e: {  	[hbm4b:s10+s22] =	stream.strided.scatter [tilespmem:s24], [sflag:$0x3], $0x9300, s23, s22, $0x38;
	[tilespmem:$0x1B900] =	vst v63  }
0x8f: {  	_ =	swait.ge [sflag:s28], $0x9300  }
0x90: {  	[sflag:s28] =	ssyncset.done $0x0  }
0x91: {  	[sflag:s28] =	ssyncadd.s32 $0xFFFF6D00  }
0x92: {  	[tilespmem:s24], [sflag:$0x1] =	stream.strided.gather [hbm4b:s11+s22], $0x9300, s23, s22, $0x38;
	[tilespmem:$0x1B900] =	vst v63  }
0x93: {  	_ =	swait.ge [sflag:s29], $0x9300  }
0x94: {  	[sflag:s29] =	ssyncset.done $0x0  }
0x95: {  	s1 =	simm.s32 $0x0;
	[sflag:s29] =	ssyncadd.s32 $0xFFFF6D00  }
0x96: {  	v0 =	vld [tilespmem:s1+$0x70]  }
0x97: {  	v1 =	vld [tilespmem:s1+$0x0]  }
0x98: {  	v2 =	vld [tilespmem:s1+$0x10]  }
0x99: {  	v3 =	vld [tilespmem:s1+$0x20]  }
0x9a: {  	v4 =	vld [tilespmem:s1+$0x30]  }
0x9b: {  	v5 =	vld [tilespmem:s1+$0x40]  }
0x9c: {  	v6 =	vld [tilespmem:s1+$0x50]  }
0x9d: {  	[tilespmem:s1+$0x12670] =	vst.add.f32.msk $0xffff, v0  }
0x9e: {  	v0 =	vld [tilespmem:s1+$0x60]  }
0x9f: {  	[tilespmem:s1+$0x12600] =	vst.add.f32.msk $0xffff, v1  }
0xa0: {  	[tilespmem:s1+$0x12610] =	vst.add.f32.msk $0xffff, v2  }
0xa1: {  	[tilespmem:s1+$0x12620] =	vst.add.f32.msk $0xffff, v3  }
0xa2: {  	[tilespmem:s1+$0x12630] =	vst.add.f32.msk $0xffff, v4  }
0xa3: {  	[tilespmem:s1+$0x12640] =	vst.add.f32.msk $0xffff, v5  }
0xa4: {  	s0 =	simm.s32 $0x0;
	s2 =	simm.s32 $0x200;
	[tilespmem:s1+$0x12650] =	vst.add.f32.msk $0xffff, v6  }
.LBB2_8:
0xa5: {  	s0 =	sadd.s32 $0x80, s0;
	[tilespmem:s1+$0x12660] =	vst.add.f32.msk $0xffff, v0;
	s1 =	sshra.s32 s2, $0x2  }
0xa6: {  	v0 =	vld [tilespmem:s1+$0x70];
	p0 =	slt.u32 s0, $0x9280  }
0xa7: {  	v1 =	vld [tilespmem:s1+$0x0]  }
0xa8: {  	v2 =	vld [tilespmem:s1+$0x10]  }
0xa9: {  	v3 =	vld [tilespmem:s1+$0x20]  }
0xaa: {  	v4 =	vld [tilespmem:s1+$0x30]  }
0xab: {  	[tilespmem:s1+$0x12670] =	vst.add.f32.msk $0xffff, v0  }
0xac: {  	v5 =	vld [tilespmem:s1+$0x40]  }
0xad: {  	v6 =	vld [tilespmem:s1+$0x50]  }
0xae: {  	v0 =	vld [tilespmem:s1+$0x60]  }
0xaf: {  	[tilespmem:s1+$0x12600] =	vst.add.f32.msk $0xffff, v1  }
.Ltmp3:
0xb0: {  	[tilespmem:s1+$0x12610] =	vst.add.f32.msk $0xffff, v2;
	(pc) =	sbr.rel @p0 .LBB2_8-.Ltmp3, $4  }
0xb1: {  	[tilespmem:s1+$0x12620] =	vst.add.f32.msk $0xffff, v3  }
0xb2: {  	[tilespmem:s1+$0x12630] =	vst.add.f32.msk $0xffff, v4  }
0xb3: {  	[tilespmem:s1+$0x12640] =	vst.add.f32.msk $0xffff, v5  }
0xb4: {  	s2 =	sadd.s32 $0x200, s2;
	[tilespmem:s1+$0x12650] =	vst.add.f32.msk $0xffff, v6  }
0xb5: {  	[tilespmem:s1+$0x12660] =	vst.add.f32.msk $0xffff, v0  }
0xb6: {  	[hbm4b:s12+s22] =	stream.strided.scatter [tilespmem:s25], [sflag:$0x4], $0x9300, s23, s22, $0x38;
	[tilespmem:$0x1B900] =	vst v63  }
0xb7: {  	_ =	swait.ge [sflag:s30], $0x9300  }
0xb8: {  	[sflag:s30] =	ssyncset.done $0x0  }
0xb9: {  	[sflag:s30] =	ssyncadd.s32 $0xFFFF6D00  }
0xba: {  	[tilespmem:s25], [sflag:$0x2] =	stream.strided.gather [hbm4b:s13+s22], $0x9300, s23, s22, $0x38;
	[tilespmem:$0x1B900] =	vst v63  }
0xbb: {  	_ =	swait.ge [sflag:s26], $0x9300  }
0xbc: {  	[sflag:s26] =	ssyncset.done $0x0  }
0xbd: {  	s1 =	simm.s32 $0x0;
	[sflag:s26] =	ssyncadd.s32 $0xFFFF6D00  }
0xbe: {  	v0 =	vld [tilespmem:s1+$0x70]  }
0xbf: {  	v1 =	vld [tilespmem:s1+$0x0]  }
0xc0: {  	v2 =	vld [tilespmem:s1+$0x10]  }
0xc1: {  	v3 =	vld [tilespmem:s1+$0x20]  }
0xc2: {  	v4 =	vld [tilespmem:s1+$0x30]  }
0xc3: {  	v5 =	vld [tilespmem:s1+$0x40]  }
0xc4: {  	v6 =	vld [tilespmem:s1+$0x50]  }
0xc5: {  	[tilespmem:s1+$0x9370] =	vst.add.f32.msk $0xffff, v0  }
0xc6: {  	v0 =	vld [tilespmem:s1+$0x60]  }
0xc7: {  	[tilespmem:s1+$0x9300] =	vst.add.f32.msk $0xffff, v1  }
0xc8: {  	[tilespmem:s1+$0x9310] =	vst.add.f32.msk $0xffff, v2  }
0xc9: {  	[tilespmem:s1+$0x9320] =	vst.add.f32.msk $0xffff, v3  }
0xca: {  	[tilespmem:s1+$0x9330] =	vst.add.f32.msk $0xffff, v4  }
0xcb: {  	[tilespmem:s1+$0x9340] =	vst.add.f32.msk $0xffff, v5  }
0xcc: {  	s0 =	simm.s32 $0x0;
	s2 =	simm.s32 $0x200;
	[tilespmem:s1+$0x9350] =	vst.add.f32.msk $0xffff, v6  }
.LBB2_10:
0xcd: {  	s0 =	sadd.s32 $0x80, s0;
	[tilespmem:s1+$0x9360] =	vst.add.f32.msk $0xffff, v0;
	s1 =	sshra.s32 s2, $0x2  }
0xce: {  	v0 =	vld [tilespmem:s1+$0x70];
	p0 =	slt.u32 s0, $0x9280  }
0xcf: {  	v1 =	vld [tilespmem:s1+$0x0]  }
0xd0: {  	v2 =	vld [tilespmem:s1+$0x10]  }
0xd1: {  	v3 =	vld [tilespmem:s1+$0x20]  }
0xd2: {  	v4 =	vld [tilespmem:s1+$0x30]  }
0xd3: {  	[tilespmem:s1+$0x9370] =	vst.add.f32.msk $0xffff, v0  }
0xd4: {  	v5 =	vld [tilespmem:s1+$0x40]  }
0xd5: {  	v6 =	vld [tilespmem:s1+$0x50]  }
0xd6: {  	v0 =	vld [tilespmem:s1+$0x60]  }
0xd7: {  	[tilespmem:s1+$0x9300] =	vst.add.f32.msk $0xffff, v1  }
.Ltmp4:
0xd8: {  	[tilespmem:s1+$0x9310] =	vst.add.f32.msk $0xffff, v2;
	(pc) =	sbr.rel @p0 .LBB2_10-.Ltmp4, $4  }
0xd9: {  	[tilespmem:s1+$0x9320] =	vst.add.f32.msk $0xffff, v3  }
0xda: {  	[tilespmem:s1+$0x9330] =	vst.add.f32.msk $0xffff, v4  }
0xdb: {  	[tilespmem:s1+$0x9340] =	vst.add.f32.msk $0xffff, v5  }
0xdc: {  	s2 =	sadd.s32 $0x200, s2;
	[tilespmem:s1+$0x9350] =	vst.add.f32.msk $0xffff, v6  }
0xdd: {  	[tilespmem:s1+$0x9360] =	vst.add.f32.msk $0xffff, v0  }
0xde: {  	[hbm4b:s14+s22] =	stream.strided.scatter [tilespmem:s24], [sflag:$0x3], $0x9300, s23, s22, $0x38;
	[tilespmem:$0x1B900] =	vst v63  }
0xdf: {  	_ =	swait.ge [sflag:s28], $0x9300  }
0xe0: {  	[sflag:s28] =	ssyncset.done $0x0  }
0xe1: {  	[sflag:s28] =	ssyncadd.s32 $0xFFFF6D00  }
0xe2: {  	[tilespmem:s24], [sflag:$0x1] =	stream.strided.gather [hbm4b:s15+s22], $0x9300, s23, s22, $0x38;
	[tilespmem:$0x1B900] =	vst v63  }
0xe3: {  	_ =	swait.ge [sflag:s29], $0x9300  }
0xe4: {  	[sflag:s29] =	ssyncset.done $0x0  }
0xe5: {  	s1 =	simm.s32 $0x0;
	[sflag:s29] =	ssyncadd.s32 $0xFFFF6D00  }
0xe6: {  	v0 =	vld [tilespmem:s1+$0x70]  }
0xe7: {  	v1 =	vld [tilespmem:s1+$0x0]  }
0xe8: {  	v2 =	vld [tilespmem:s1+$0x10]  }
0xe9: {  	v3 =	vld [tilespmem:s1+$0x20]  }
0xea: {  	v4 =	vld [tilespmem:s1+$0x30]  }
0xeb: {  	v5 =	vld [tilespmem:s1+$0x40]  }
0xec: {  	v6 =	vld [tilespmem:s1+$0x50]  }
0xed: {  	[tilespmem:s1+$0x12670] =	vst.add.f32.msk $0xffff, v0  }
0xee: {  	v0 =	vld [tilespmem:s1+$0x60]  }
0xef: {  	[tilespmem:s1+$0x12600] =	vst.add.f32.msk $0xffff, v1  }
0xf0: {  	[tilespmem:s1+$0x12610] =	vst.add.f32.msk $0xffff, v2  }
0xf1: {  	[tilespmem:s1+$0x12620] =	vst.add.f32.msk $0xffff, v3  }
0xf2: {  	[tilespmem:s1+$0x12630] =	vst.add.f32.msk $0xffff, v4  }
0xf3: {  	[tilespmem:s1+$0x12640] =	vst.add.f32.msk $0xffff, v5  }
0xf4: {  	s0 =	simm.s32 $0x0;
	s2 =	simm.s32 $0x200;
	[tilespmem:s1+$0x12650] =	vst.add.f32.msk $0xffff, v6  }
.LBB2_12:
0xf5: {  	s0 =	sadd.s32 $0x80, s0;
	[tilespmem:s1+$0x12660] =	vst.add.f32.msk $0xffff, v0;
	s1 =	sshra.s32 s2, $0x2  }
0xf6: {  	v0 =	vld [tilespmem:s1+$0x70];
	p0 =	slt.u32 s0, $0x9280  }
0xf7: {  	v1 =	vld [tilespmem:s1+$0x0]  }
0xf8: {  	v2 =	vld [tilespmem:s1+$0x10]  }
0xf9: {  	v3 =	vld [tilespmem:s1+$0x20]  }
0xfa: {  	v4 =	vld [tilespmem:s1+$0x30]  }
0xfb: {  	[tilespmem:s1+$0x12670] =	vst.add.f32.msk $0xffff, v0  }
0xfc: {  	v5 =	vld [tilespmem:s1+$0x40]  }
0xfd: {  	v6 =	vld [tilespmem:s1+$0x50]  }
0xfe: {  	v0 =	vld [tilespmem:s1+$0x60]  }
0xff: {  	[tilespmem:s1+$0x12600] =	vst.add.f32.msk $0xffff, v1  }
.Ltmp5:
0x100: {  	[tilespmem:s1+$0x12610] =	vst.add.f32.msk $0xffff, v2;
	(pc) =	sbr.rel @p0 .LBB2_12-.Ltmp5, $4  }
0x101: {  	[tilespmem:s1+$0x12620] =	vst.add.f32.msk $0xffff, v3  }
0x102: {  	[tilespmem:s1+$0x12630] =	vst.add.f32.msk $0xffff, v4  }
0x103: {  	[tilespmem:s1+$0x12640] =	vst.add.f32.msk $0xffff, v5  }
0x104: {  	s2 =	sadd.s32 $0x200, s2;
	[tilespmem:s1+$0x12650] =	vst.add.f32.msk $0xffff, v6  }
0x105: {  	[tilespmem:s1+$0x12660] =	vst.add.f32.msk $0xffff, v0  }
0x106: {  	[hbm4b:s16+s22] =	stream.strided.scatter [tilespmem:s25], [sflag:$0x4], $0x9300, s23, s22, $0x38;
	[tilespmem:$0x1B900] =	vst v63  }
0x107: {  	_ =	swait.ge [sflag:s30], $0x9300  }
0x108: {  	[sflag:s30] =	ssyncset.done $0x0  }
0x109: {  	[sflag:s30] =	ssyncadd.s32 $0xFFFF6D00  }
0x10a: {  	[tilespmem:s25], [sflag:$0x2] =	stream.strided.gather [hbm4b:s17+s22], $0x9300, s23, s22, $0x38;
	[tilespmem:$0x1B900] =	vst v63  }
0x10b: {  	_ =	swait.ge [sflag:s26], $0x9300  }
0x10c: {  	[sflag:s26] =	ssyncset.done $0x0  }
0x10d: {  	s1 =	simm.s32 $0x0;
	[sflag:s26] =	ssyncadd.s32 $0xFFFF6D00  }
0x10e: {  	v0 =	vld [tilespmem:s1+$0x70]  }
0x10f: {  	v1 =	vld [tilespmem:s1+$0x0]  }
0x110: {  	v2 =	vld [tilespmem:s1+$0x10]  }
0x111: {  	v3 =	vld [tilespmem:s1+$0x20]  }
0x112: {  	v4 =	vld [tilespmem:s1+$0x30]  }
0x113: {  	v5 =	vld [tilespmem:s1+$0x40]  }
0x114: {  	v6 =	vld [tilespmem:s1+$0x50]  }
0x115: {  	[tilespmem:s1+$0x9370] =	vst.add.f32.msk $0xffff, v0  }
0x116: {  	v0 =	vld [tilespmem:s1+$0x60]  }
0x117: {  	[tilespmem:s1+$0x9300] =	vst.add.f32.msk $0xffff, v1  }
0x118: {  	[tilespmem:s1+$0x9310] =	vst.add.f32.msk $0xffff, v2  }
0x119: {  	[tilespmem:s1+$0x9320] =	vst.add.f32.msk $0xffff, v3  }
0x11a: {  	[tilespmem:s1+$0x9330] =	vst.add.f32.msk $0xffff, v4  }
0x11b: {  	[tilespmem:s1+$0x9340] =	vst.add.f32.msk $0xffff, v5  }
0x11c: {  	s0 =	simm.s32 $0x0;
	s2 =	simm.s32 $0x200;
	[tilespmem:s1+$0x9350] =	vst.add.f32.msk $0xffff, v6  }
.LBB2_14:
0x11d: {  	s0 =	sadd.s32 $0x80, s0;
	[tilespmem:s1+$0x9360] =	vst.add.f32.msk $0xffff, v0;
	s1 =	sshra.s32 s2, $0x2  }
0x11e: {  	v0 =	vld [tilespmem:s1+$0x70];
	p0 =	slt.u32 s0, $0x9280  }
0x11f: {  	v1 =	vld [tilespmem:s1+$0x0]  }
0x120: {  	v2 =	vld [tilespmem:s1+$0x10]  }
0x121: {  	v3 =	vld [tilespmem:s1+$0x20]  }
0x122: {  	v4 =	vld [tilespmem:s1+$0x30]  }
0x123: {  	[tilespmem:s1+$0x9370] =	vst.add.f32.msk $0xffff, v0  }
0x124: {  	v5 =	vld [tilespmem:s1+$0x40]  }
0x125: {  	v6 =	vld [tilespmem:s1+$0x50]  }
0x126: {  	v0 =	vld [tilespmem:s1+$0x60]  }
0x127: {  	[tilespmem:s1+$0x9300] =	vst.add.f32.msk $0xffff, v1  }
.Ltmp6:
0x128: {  	[tilespmem:s1+$0x9310] =	vst.add.f32.msk $0xffff, v2;
	(pc) =	sbr.rel @p0 .LBB2_14-.Ltmp6, $4  }
0x129: {  	[tilespmem:s1+$0x9320] =	vst.add.f32.msk $0xffff, v3  }
0x12a: {  	[tilespmem:s1+$0x9330] =	vst.add.f32.msk $0xffff, v4  }
0x12b: {  	[tilespmem:s1+$0x9340] =	vst.add.f32.msk $0xffff, v5  }
0x12c: {  	s2 =	sadd.s32 $0x200, s2;
	[tilespmem:s1+$0x9350] =	vst.add.f32.msk $0xffff, v6  }
0x12d: {  	[tilespmem:s1+$0x9360] =	vst.add.f32.msk $0xffff, v0  }
0x12e: {  	[hbm4b:s18+s22] =	stream.strided.scatter [tilespmem:s24], [sflag:$0x3], $0x9300, s23, s22, $0x38;
	[tilespmem:$0x1B900] =	vst v63  }
0x12f: {  	_ =	swait.ge [sflag:s29], $0x9300  }
0x130: {  	[sflag:s29] =	ssyncset.done $0x0  }
0x131: {  	s1 =	simm.s32 $0x0;
	[sflag:s29] =	ssyncadd.s32 $0xFFFF6D00  }
0x132: {  	v0 =	vld [tilespmem:s1+$0x70]  }
0x133: {  	v1 =	vld [tilespmem:s1+$0x0]  }
0x134: {  	v2 =	vld [tilespmem:s1+$0x10]  }
0x135: {  	v3 =	vld [tilespmem:s1+$0x20]  }
0x136: {  	v4 =	vld [tilespmem:s1+$0x30]  }
0x137: {  	v5 =	vld [tilespmem:s1+$0x40]  }
0x138: {  	v6 =	vld [tilespmem:s1+$0x50]  }
0x139: {  	[tilespmem:s1+$0x12670] =	vst.add.f32.msk $0xffff, v0  }
0x13a: {  	v0 =	vld [tilespmem:s1+$0x60]  }
0x13b: {  	[tilespmem:s1+$0x12600] =	vst.add.f32.msk $0xffff, v1  }
0x13c: {  	[tilespmem:s1+$0x12610] =	vst.add.f32.msk $0xffff, v2  }
0x13d: {  	[tilespmem:s1+$0x12620] =	vst.add.f32.msk $0xffff, v3  }
0x13e: {  	[tilespmem:s1+$0x12630] =	vst.add.f32.msk $0xffff, v4  }
0x13f: {  	[tilespmem:s1+$0x12640] =	vst.add.f32.msk $0xffff, v5  }
0x140: {  	s0 =	simm.s32 $0x0;
	s2 =	simm.s32 $0x200;
	[tilespmem:s1+$0x12650] =	vst.add.f32.msk $0xffff, v6  }
.LBB2_16:
0x141: {  	s0 =	sadd.s32 $0x80, s0;
	[tilespmem:s1+$0x12660] =	vst.add.f32.msk $0xffff, v0;
	s1 =	sshra.s32 s2, $0x2  }
0x142: {  	v0 =	vld [tilespmem:s1+$0x70];
	p0 =	slt.u32 s0, $0x9280  }
0x143: {  	v1 =	vld [tilespmem:s1+$0x0]  }
0x144: {  	v2 =	vld [tilespmem:s1+$0x10]  }
0x145: {  	v3 =	vld [tilespmem:s1+$0x20]  }
0x146: {  	v4 =	vld [tilespmem:s1+$0x30]  }
0x147: {  	[tilespmem:s1+$0x12670] =	vst.add.f32.msk $0xffff, v0  }
0x148: {  	v5 =	vld [tilespmem:s1+$0x40]  }
0x149: {  	v6 =	vld [tilespmem:s1+$0x50]  }
0x14a: {  	v0 =	vld [tilespmem:s1+$0x60]  }
0x14b: {  	[tilespmem:s1+$0x12600] =	vst.add.f32.msk $0xffff, v1  }
.Ltmp7:
0x14c: {  	[tilespmem:s1+$0x12610] =	vst.add.f32.msk $0xffff, v2;
	(pc) =	sbr.rel @p0 .LBB2_16-.Ltmp7, $4  }
0x14d: {  	[tilespmem:s1+$0x12620] =	vst.add.f32.msk $0xffff, v3  }
0x14e: {  	[tilespmem:s1+$0x12630] =	vst.add.f32.msk $0xffff, v4  }
0x14f: {  	[tilespmem:s1+$0x12640] =	vst.add.f32.msk $0xffff, v5  }
0x150: {  	s2 =	sadd.s32 $0x200, s2;
	[tilespmem:s1+$0x12650] =	vst.add.f32.msk $0xffff, v6  }
0x151: {  	[tilespmem:s1+$0x12660] =	vst.add.f32.msk $0xffff, v0;
	s31 =	sadd.s32 $0x1, s31  }
0x152: {  	[hbm4b:s19+s22] =	stream.strided.scatter [tilespmem:s25], [sflag:$0x4], $0x9300, s23, s22, $0x38;
	[tilespmem:$0x1B900] =	vst v63  }
0x153: {  	p0 =	sne.s32 s31, s20;
	_ =	swait.ge [sflag:s28], $0x9300  }
.Ltmp8:
0x154: {  	[sflag:s28] =	ssyncset.done $0x0;
	(pc) =	sbr.rel @p0 .LBB2_1-.Ltmp8, $4  }
0x155: {  	[sflag:s28] =	ssyncadd.s32 $0xFFFF6D00  }
0x156: {  	_ =	swait.ge [sflag:s30], $0x9300  }
0x157: {  	[sflag:s30] =	ssyncset.done $0x0  }
0x158: {  	[sflag:s30] =	ssyncadd.s32 $0xFFFF6D00  }
0x159: {  	_ =	sfence.sel $0x180000  }
0x15a: {  	[bflag:$0x0] =	sbarrier.arrive $0xFFFF  }
0x15b: {  	_ =	strace $0x9000004A  }
0x15c: {  	s0 =	stileid.u32;
	[bflag:$0x2] =	sbarrier.arrive $0xFFFF  }
0x15d: {  	p0 =	sne.s32 s0, $0x0;
	s0 =	rddreg [dreg:$0x2]  }
0x15e: {  	s0 =	sadd.s32 @!p0 $0x100000, s0  }
0x15f: {  	[sflag:s0] =	ssyncadd.tile.s32 @!p0 $0x1;
	_ =	shalt  }
.Lfunc_end2:
_tile_overlayer_lowered:
.L_overlay_start_2:
0x160: {  	(tag) =	ssettag $0x2  }
0x161: {  	s0 =	rddreg [dreg:$0x0];
	s2 =	stileid.u32  }
0x162: {  	s1 =	rddreg [dreg:$0x1];
	p0 =	sne.s32 s2, $0x0  }
0x163: {  	s3 =	rddreg [dreg:$0x2];
	[bflag:$0x3] =	sbarrier.arrive $0xFFFF;
	s2 =	simm.s32 @!p0 $0x1C05  }
0x164: {  	[timem:s3], [sflag:s2] =	dma.local @!p0 [hbm:s0], s1  }
0x165: {  	s0 =	simm.s32 @!p0 $0x5  }
0x166: {  	_ =	swait.ge @!p0 [sflag:s0], s1  }
0x167: {  	s1 =	ssub.s32 @!p0 $0x0, s1;
	[sflag:s0] =	ssyncset.done @!p0 $0x0  }
0x168: {  	[sflag:s0] =	ssyncadd.s32 @!p0 s1  }
0x169: {  	[bflag:$0x3] =	sbarrier.arrive $0xFFFF  }
0x16a: {  	_ =	shalt  }

// kernel: sparse-core-data-format-call.1.cloned.1.call-start
scs
called_computation.1_lowered:
.L_overlay_start_0:
0x0: {  	s2 =	sld [smem:$0x3FD9]  }
0x1: {  	s3 =	sld [smem:$0x3FFE];
	_ =	sdelay $0x1  }
0x2: {  	s1 =	srdreg.scid  }
0x3: {  	s0 =	sand.u32 $0x1, s1  }
0x4: {  	s19 =	sshll.u32 s0, $0xA;
	s2 =	sadd.s32 s3, s2  }
0x5: {  	s2 =	sadd.s32 s2, s19  }
0x6: {  	[smem:$0x3FC2] =	sst s2  }
0x7: {  	_ = 	snop  }
0x8: {  	s2 =	sld [smem:$0x3FC9]  }
0x9: {  	s20 =	sld [smem:$0x3FD0];
	(tm) =	ssettm $0x1  }
0xa: {  	s4 =	sld [smem:$0x3FFB];
	_ =	sdelay $0x3  }
0xb: {  	_ =	strace s4  }
0xc: {  	s4 =	sld [smem:$0x3FFC];
	_ =	sdelay $0x3  }
0xd: {  	_ =	strace s4  }
0xe: {  	s4 =	sld [smem:$0x3FFD];
	_ =	sdelay $0x3  }
0xf: {  	_ =	strace s4  }
0x10: {  	_ =	strace $0x8FFFFFFF  }
0x11: {  	s21 =	sld [smem:$0x3FDB];
	_ =	sdelay $0x1  }
0x12: {  	s5 =	simm.s32 $_scs_section_size  }
0x13: {  	s6 =	simm.s32 $_size__tile_overlayer_lowered;
	s7 =	simm.s32 $_tile_overlayer_lowered  }
0x14: {  	s24 =	simm.s32 $0x1BFF;
	s23 =	sshll.u32 s7, $0x1;
	s4 =	sadd.s32 s5, s21  }
0x15: {  	s8 =	simm.s32 $0x0;
	s22 =	sshll.u32 s6, $0x1;
	s6 =	sadd.s32 s23, s4  }
0x16: {  	[timem:s8], [sflag:s24] =	dma.local [hbm:s6], s22  }
0x17: {  	_ =	swait.ge [sflag:s24], s22  }
0x18: {  	s5 =	ssub.s32 $0x0, s22;
	[sflag:s24] =	ssyncset.done $0x0  }
0x19: {  	[sflag:s24] =	ssyncadd.s32 s5;
	_ =	sdelay $0x1  }
0x1a: {  	s25 =	simm.s32 $0x1B8B  }
0x1b: {  	_ =	swait.ge [sflag:s25], $0x1  }
0x1c: {  	[sflag:s25] =	ssyncset.done $0x0  }
0x1d: {  	s26 =	simm.s32 $0x1B8E;
	[sflag:s25] =	ssyncadd.s32 $0xFFFFFFFF  }
0x1e: {  	s27 =	simm.s32 $execute0_lowered;
	[smem:$0x3FD2] =	sst s26  }
0x1f: {  	s5 =	sshll.u32 s27, $0x1;
	_ =	strace $0x80000046;
	[dreg:$0x1] =	wrdreg $0xFFFFFFFF  }
0x20: {  	s28 =	simm.s32 $_size_execute0_lowered;
	s4 =	sadd.s32 s4, s5;
	[dreg:$0x0] =	wrdreg $0x0  }
0x21: {  	s5 =	sshll.u32 s28, $0x1;
	[dreg:$0x2] =	wrdreg s4  }
0x22: {  	[dreg:$0x3] =	wrdreg s5  }
0x23: {  	[dreg:$0x4] =	wrdreg $0xC0  }
0x24: {  	_ =	task [dreg:s8], $0x5FFFF  }
0x25: {  	[dreg:$0x1] =	wrdreg $0xFFFFFFFF  }
0x26: {  	[dreg:$0x0] =	wrdreg $0x60  }
0x27: {  	[dreg:$0x2] =	wrdreg s2  }
0x28: {  	[dreg:$0x3] =	wrdreg s20  }
0x29: {  	[dreg:$0x4] =	wrdreg $0x9  }
0x2a: {  	_ =	task.clear_ibuf [dreg:s8], $0x5FFFF;
	_ =	strace $0x90000046  }
0x2b: {  	s29 =	simm.s32 $0x9;
	_ =	strace $0x80000048  }
0x2c: {  	_ =	swait.ge [sflag:s29], $0x1  }
0x2d: {  	[sflag:s29] =	ssyncadd.s32 $0xFFFFFFFF  }
0x2e: {  	_ =	strace $0x90000048  }
0x2f: {  	_ =	sfence  }
0x30: {  	s30 =	sld [smem:$0x0];
	_ =	sdelay $0x2  }
0x31: {  	s31 =	sshll.u32 s1, $0xD;
	s1 =	sshrl.u32 s1, $0x2  }
0x32: {  	s3 =	sand.u32 $0x4000, s31;
	s1 =	sadd.s32 s1, s30  }
0x33: {  	s0 =	sor.u32 s3, s0;
	s1 =	sshll.u32 s1, $0x11  }
0x34: {  	s0 =	sor.u32 s1, s0  }
0x35: {  	s0 =	sadd.s32 $0x8F2B, s0  }
0x36: {  	[sflag:s0] =	ssyncadd.remote.s32 $0x1  }
0x37: {  	_ =	sfence.sel $0xFFFF  }
0x38: {  	[dreg:$0x0] =	wrdreg $0xFFFFFFFF;
	(pc) =	sbr.abs _section_cstart, $3  }
0x39: {  	[dreg:$0x1] =	wrdreg $0xFFFFFFFF  }
0x3a: {  	_ =	task.clear_ibuf [dreg:s8], $0x2FFFF;
	_ =	strace $0x9FFFFFFF  }
0x3b: {  	(tm) =	ssettm $0x7FFFFFFF  }
tec
execute0_lowered:
.L_overlay_start_1:
0x0: {  	(tag) =	ssettag $0x1  }
0x1: {  	s0 =	srdreg.scid  }
0x2: {  	s1 =	sshll.u32 s0, $0x4  }
0x3: {  	s3 =	rddreg [dreg:$0x0];
	s0 =	stileid.u32;
	s1 =	sand.u32 $0x10, s1  }
0x4: {  	s4 =	rddreg [dreg:$0x1];
	s1 =	sor.u32 s0, s1  }
0x5: {  	s6 =	simm.s32 $0x1;
	s31 =	simm.s32 $0x2;
	s2 =	sshll.u32 s1, $0x3  }
0x6: {  	s15 =	simm.s32 $0x0;
	s8 =	simm.s32 $0x1800;
	s5 =	ssub.s32 $0x620, s2  }
0x7: {  	s9 =	simm.s32 $0x0;
	s14 =	simm.s32 $0x0;
	s30 =	sand.u32 $0xF8, s5  }
0x8: {  	s16 =	simm.s32 $0x0;
	s10 =	simm.s32 $0x0;
	p0 =	sne.s32 s30, $0x0  }
.Ltmp0:
0x9: {  	s7 =	sshrl.u32 s5, $0x8;
	s6 =	simm.s32 @!p0 $0x0;
	(pc) =	sbr.rel .LBB1_1-.Ltmp0, $4  }
0xa: {  	s12 =	simm.s32 $0x0;
	s1 =	rddreg [dreg:$0x2];
	s6 =	sadd.s32 s6, s7  }
0xb: {  	_ =	strace $0x80000047;
	s5 =	simm.s32 $0x1;
	s6 =	smul.u32 $0x3, s6  }
0xc: {  	s13 =	simm.s32 $0x0;
	s22 =	simm.s32 $0x0;
	[sflag:s5] =	ssyncpa.u1 $0x0  }
0xd: {  	s11 =	smov.u32 s2;
	[sflag:s31] =	ssyncpa.u1 $0x0;
	s7 =	sadd.s32 $0x1, s6  }
.LBB1_7:
0xe: {  	s17 =	sadd.s32 $0x100, s10  }
0xf: {  	s14 =	sadd.s32 $0x100, s11;
	s18 =	smov.u32 s11;
	p1 =	sgt.s32 s17, $0x2FF  }
0x10: {  	s18 =	smov.u32 @p1 s14  }
0x11: {  	s20 =	smov.u32 s12;
	s14 =	sadd.s32 $0x8, s12;
	p2 =	sgt.s32 s18, $0x61F  }
0x12: {  	s20 =	smov.u32 @p2 s14  }
0x13: {  	s17 =	simm.s32 @p1 $0x0;
	p1 =	sgt.s32 s20, $0x7  }
0x14: {  	p0 =	slt.u32 s13, $0x2;
	s20 =	simm.s32 @p1 $0x0;
	p1 =	sne.s32 s13, s7  }
.Ltmp1:
0x15: {  	s19 =	simm.s32 @!p0 $0x2;
	(pc) =	sbr.rel @!p1 .LBB1_8-.Ltmp1, $4  }
0x16: {  	s15 =	smov.u32 s10;
	s16 =	smov.u32 s12;
	_ =	swait.ge @!p0 [sflag:s19], $0x4000  }
0x17: {  	s9 =	sadd.s32 $0x4000, s9;
	[sflag:s19] =	ssyncset.done @!p0 $0x0;
	s10 =	smov.u32 s17  }
0x18: {  	s18 =	smov.u32 @p2 s2;
	s14 =	smov.u32 s11;
	[sflag:s19] =	ssyncadd.s32 @!p0 $0xFFFFC000  }
0x19: {  	s11 =	smov.u32 s18;
	s13 =	sadd.s32 $0x1, s13;
	s12 =	smov.u32 s20  }
.LBB1_1:
0x1a: {  	p0 =	sge.u32 s13, s6  }
0x1b: {  	s17 =	sshrl.u32 @!p0 s11, $0x3  }
0x1c: {  	s18 =	sshll.u32 @!p0 s10, $0x3;
	s17 =	smul.u32 @!p0 $0x1800, s17  }
0x1d: {  	s19 =	sshll.u32 @!p0 s11, $0x7;
	s18 =	sand.u32 @!p0 $0xFFFFFC00, s18  }
0x1e: {  	s17 =	sadd.s32 @!p0 s17, s18;
	s18 =	sand.u32 @!p0 $0x380, s19  }
0x1f: {  	s17 =	sor.u32 @!p0 s18, s17  }
0x20: {  	s18 =	smulhi.u32 @!p0 $0xAAAAAAAB, s17;
	_ =	sdelay $0x1  }
0x21: {  	s19 =	sand.u32 @!p0 $0x7F, s10;
	s18 =	sshrl.u32 @!p0 s18, $0x9  }
0x22: {  	s17 =	sor.u32 @!p0 s19, s17;
	s19 =	smulhi.u32 @!p0 $0x539783, s18  }
0x23: {  	s20 =	smulhi.u32 @!p0 $0xAAAAAAAB, s17  }
0x24: {  	s19 =	sshrl.u32 @!p0 s19, $0x1  }
0x25: {  	s20 =	sshrl.u32 @!p0 s20, $0x9;
	s19 =	smul.u32 @!p0 $0x620, s19  }
0x26: {  	s31 =	sadd.s32 $0xFFFFFFFF, s13;
	s20 =	smul.u32 @!p0 $0x300, s20  }
0x27: {  	s21 =	sxor.u32 @!p0 $0xFFFFFFFF, s13;
	s18 =	ssub.s32 @!p0 s18, s19;
	s19 =	smul.u32 @!p0 $0x24C00, s12  }
0x28: {  	s21 =	sshll.u32 @!p0 s21, $0xE;
	s17 =	ssub.s32 @!p0 s17, s20;
	s18 =	smul.u32 @!p0 $0x60, s18  }
0x29: {  	s20 =	sand.u32 @!p0 $0x4000, s21;
	s21 =	sand.u32 @!p0 $0x7, s17;
	s19 =	sadd.s32 @!p0 s3, s19  }
0x2a: {  	s17 =	sshrl.u32 @!p0 s17, $0x3;
	s18 =	sadd.s32 @!p0 s18, s19;
	s19 =	sshll.u32 @!p0 s21, $0x12  }
0x2b: {  	s17 =	sadd.s32 @!p0 s17, s18;
	s18 =	sor.u32 @!p0 $0x800, s19;
	s19 =	simm.s32 @!p0 $0x126000  }
0x2c: {  	[tilespmem:s20], [sflag:$0x1] =	stream.strided.gather @!p0 [hbm4b:s17+s18], $0x4000, s19, s18, $0x38;
	[tilespmem:$0x10000] =	vst v63  }
0x2d: {  	p0 =	sge.u32 s31, s6  }
.Ltmp2:
0x2e: {  	_ = 	snop;
	(pc) =	sbr.rel @p0 .LBB1_7-.Ltmp2, $1  }
0x2f: {  	_ =	sdelay $0x3  }
0x30: {  	s17 =	sshll.u32 s9, $0x2;
	_ =	swait.ge [sflag:s5], $0x4000;
	s31 =	sshll.u32 s13, $0xE  }
0x31: {  	p0 =	por $0x0, $0x0;
	s23 =	simm.s32 $0x0;
	s24 =	simm.s32 $0x0  }
0x32: {  	s17 =	sand.u32 $0x10000, s17;
	[sflag:s5] =	ssyncset.done $0x0;
	s20 =	sand.u32 $0x4000, s31  }
0x33: {  	s21 =	sshrl.u32 s17, $0x2;
	[sflag:s5] =	ssyncadd.s32 $0xFFFFC000;
	s17 =	sor.u32 $0x8000, s20  }
0x34: {  	s18 =	sor.u32 $0x40, s21;
	s19 =	sor.u32 $0x8410, s21;
	s21 =	sadd.s32 $0x8400, s21  }
.LBB1_3:
0x35: {  	v1 =	vld [tilespmem:s18+$0xFFFFFFD0]  }
0x36: {  	v2 =	vld [tilespmem:s18+$0x430]  }
0x37: {  	s25 =	sshll.u32 s24, $0xB;
	v4 =	vld [tilespmem:s18+$0xFFFFFFE0]  }
0x38: {  	v7 =	vld [tilespmem:s18+$0xFFFFFFF0];
	v0 =	vmov s25  }
0x39: {  	v8 =	vld [tilespmem:s18+$0x0]  }
0x3a: {  	s31 =	sand.u32 $0x300, s22;
	v9 =	vld [tilespmem:s18+$0x10]  }
0x3b: {  	s26 =	sand.u32 $0x80, s22;
	v10 =	vld [tilespmem:s18+$0x20];
	s25 =	sadd.s32 s31, s20  }
0x3c: {  	v11 =	vld [tilespmem:s18+$0x30];
	s25 =	sadd.s32 s26, s25;
	s26 =	simm.s32 $0x1;
	[tilespmem:s19+$0x60] =	vst v2  }
0x3d: {  	s31 =	sshll.u32 s23, $0x2;
	s26 =	simm.s32 @!p0 $0x0;
	[tilespmem:s19+$0xFFFFFC00] =	vst v1;
	v3 =	vld.idx.msk [tilespmem:v0+s25+$0x400 ss:$0x1], $0xffff  }
0x3e: {  	v6 =	vld [tilespmem:s18+$0x3D0];
	s26 =	sshll.u32 s26, $0x9;
	[tilespmem:s19+$0xFFFFFC10] =	vst v4;
	s25 =	sand.u32 $0xFFFFFC00, s31  }
0x3f: {  	v5 =	vld [tilespmem:s18+$0x3E0];
	[tilespmem:s19+$0xFFFFFC20] =	vst v7;
	s25 =	sor.u32 s26, s25  }
0x40: {  	[tilespmem:s19+$0xFFFFFC30] =	vst v8;
	v4 =	vld [tilespmem:s18+$0x400];
	s25 =	sshrl.u32 s25, $0x2  }
0x41: {  	[tilespmem:s19+$0xFFFFFC40] =	vst v9;
	v1 =	vld [tilespmem:s18+$0x410];
	s25 =	sadd.s32 s25, s21  }
0x42: {  	[tilespmem:s25+$0x0] =	vst v3;
	v3 =	vld [tilespmem:s18+$0x3F0]  }
0x43: {  	s29 =	simm.s32 $0x80;
	s28 =	simm.s32 $0x100;
	[tilespmem:s19+$0xFFFFFC50] =	vst v10;
	v2 =	vld [tilespmem:s18+$0x420]  }
0x44: {  	s27 =	smov.u32 s19;
	s30 =	sand.u32 $0x300, s29;
	v7 =	vld [tilespmem:s18+$0xFFFFFFC0];
	[tilespmem:s19+$0xFFFFFC60] =	vst v11;
	s26 =	sadd.s32 $0x80, s18  }
.LBB1_4:
0x45: {  	p1 =	sne.s32 s28, $0x380;
	v8 =	vld [tilespmem:s26+$0xFFFFFFD0];
	s29 =	sand.u32 $0x80, s29;
	s30 =	sadd.s32 s30, s20;
	[tilespmem:s27+$0x0] =	vst v6  }
0x46: {  	s30 =	sadd.s32 s29, s30;
	v6 =	vld [tilespmem:s26+$0x430];
	[tilespmem:s27+$0x10] =	vst v5;
	s29 =	smov.u32 s28  }
0x47: {  	v5 =	vld.idx.msk [tilespmem:v0+s30+$0x400 ss:$0x1], $0xffff;
	[tilespmem:s27+$0x20] =	vst v3  }
0x48: {  	v3 =	vld [tilespmem:s26+$0xFFFFFFE0];
	[tilespmem:s27+$0x30] =	vst v4  }
0x49: {  	v4 =	vld [tilespmem:s26+$0xFFFFFFF0];
	[tilespmem:s27+$0xFFFFFBF0] =	vst v7  }
0x4a: {  	v7 =	vld [tilespmem:s26+$0x0];
	[tilespmem:s27+$0x40] =	vst v1  }
0x4b: {  	v1 =	vld [tilespmem:s26+$0x10];
	[tilespmem:s27+$0x50] =	vst v2;
	s27 =	sadd.s32 $0x800, s27  }
0x4c: {  	s25 =	sadd.s32 $0x800, s25;
	v2 =	vld [tilespmem:s26+$0x20];
	[tilespmem:s27+$0x60] =	vst v6  }
0x4d: {  	v9 =	vld [tilespmem:s26+$0x30];
	[tilespmem:s25+$0x0] =	vst v5  }
0x4e: {  	[tilespmem:s27+$0xFFFFFC00] =	vst v8;
	v6 =	vld [tilespmem:s26+$0x3D0]  }
0x4f: {  	[tilespmem:s27+$0xFFFFFC10] =	vst v3;
	v5 =	vld [tilespmem:s26+$0x3E0]  }
.Ltmp3:
0x50: {  	[tilespmem:s27+$0xFFFFFC20] =	vst v4;
	v3 =	vld [tilespmem:s26+$0x3F0];
	(pc) =	sbr.rel @p1 .LBB1_4-.Ltmp3, $4  }
0x51: {  	[tilespmem:s27+$0xFFFFFC30] =	vst v7;
	v4 =	vld [tilespmem:s26+$0x400]  }
0x52: {  	[tilespmem:s27+$0xFFFFFC40] =	vst v1;
	v1 =	vld [tilespmem:s26+$0x410]  }
0x53: {  	[tilespmem:s27+$0xFFFFFC50] =	vst v2;
	v2 =	vld [tilespmem:s26+$0x420]  }
0x54: {  	s28 =	sadd.s32 $0x80, s28;
	s30 =	sand.u32 $0x300, s29;
	v7 =	vld [tilespmem:s26+$0xFFFFFFC0];
	[tilespmem:s27+$0xFFFFFC60] =	vst v9;
	s26 =	sadd.s32 $0x80, s26  }
0x55: {  	[tilespmem:s27+$0x0] =	vst v6  }
0x56: {  	[tilespmem:s27+$0x10] =	vst v5  }
0x57: {  	v49 =	vld [tilespmem:s26+$0x430];
	[tilespmem:s27+$0x20] =	vst v3  }
0x58: {  	v50 =	vld [tilespmem:s26+$0xFFFFFFD0];
	[tilespmem:s27+$0x30] =	vst v4  }
0x59: {  	v51 =	vld [tilespmem:s26+$0xFFFFFFE0];
	[tilespmem:s27+$0x40] =	vst v1  }
0x5a: {  	v52 =	vld [tilespmem:s26+$0xFFFFFFF0];
	[tilespmem:s27+$0x50] =	vst v2  }
0x5b: {  	s31 =	sadd.s32 $0x800, s27;
	v53 =	vld [tilespmem:s26+$0x0];
	[tilespmem:s27+$0xFFFFFBF0] =	vst v7  }
0x5c: {  	v54 =	vld [tilespmem:s26+$0x10];
	[tilespmem:s31+$0x60] =	vst v49  }
0x5d: {  	v55 =	vld [tilespmem:s26+$0x20];
	[tilespmem:s31+$0xFFFFFC00] =	vst v50  }
0x5e: {  	v56 =	vld [tilespmem:s26+$0x30];
	[tilespmem:s31+$0xFFFFFC10] =	vst v51  }
0x5f: {  	v57 =	vld [tilespmem:s26+$0x3D0];
	[tilespmem:s31+$0xFFFFFC20] =	vst v52  }
0x60: {  	v58 =	vld [tilespmem:s26+$0x3E0];
	[tilespmem:s31+$0xFFFFFC30] =	vst v53  }
0x61: {  	v59 =	vld [tilespmem:s26+$0x3F0];
	[tilespmem:s31+$0xFFFFFC40] =	vst v54  }
0x62: {  	v60 =	vld [tilespmem:s26+$0x400];
	[tilespmem:s31+$0xFFFFFC50] =	vst v55  }
0x63: {  	v61 =	vld [tilespmem:s26+$0xFFFFFFC0];
	[tilespmem:s31+$0xFFFFFC60] =	vst v56  }
0x64: {  	s28 =	sand.u32 $0x80, s29;
	s30 =	sadd.s32 s30, s20;
	v62 =	vld [tilespmem:s26+$0x410];
	[tilespmem:s31+$0x0] =	vst v57  }
0x65: {  	v63 =	vld [tilespmem:s26+$0x420];
	s24 =	sadd.s32 $0x1, s24;
	s28 =	sadd.s32 s28, s30;
	[tilespmem:s31+$0x10] =	vst v58  }
0x66: {  	p1 =	sne.s32 s24, $0x8;
	v0 =	vld.idx.msk [tilespmem:v0+s28+$0x400 ss:$0x1], $0xffff;
	[tilespmem:s31+$0x20] =	vst v59  }
.Ltmp4:
0x67: {  	[tilespmem:s31+$0x30] =	vst v60;
	(pc) =	sbr.rel @p1 .LBB1_3-.Ltmp4, $4  }
0x68: {  	[tilespmem:s31+$0xFFFFFBF0] =	vst v61  }
0x69: {  	[tilespmem:s31+$0x40] =	vst v62  }
0x6a: {  	s25 =	sadd.s32 $0x800, s25;
	s18 =	sadd.s32 $0x800, s18;
	[tilespmem:s31+$0x50] =	vst v63  }
0x6b: {  	s23 =	sadd.s32 $0x80, s23;
	p0 =	por !p0, !p0;
	s19 =	sadd.s32 $0x80, s19;
	[tilespmem:s25+$0x0] =	vst v0  }
0x6c: {  	s18 =	sshrl.u32 s16, $0x3  }
0x6d: {  	s19 =	sshll.u32 s15, $0x3;
	s18 =	smul.u32 $0x1800, s18  }
0x6e: {  	s27 =	sshll.u32 s16, $0x7;
	s19 =	sand.u32 $0xFFFFFC00, s19  }
0x6f: {  	s16 =	sand.u32 $0x380, s27;
	s18 =	sadd.s32 s18, s19  }
0x70: {  	s28 =	sand.u32 $0x7F, s15;
	s16 =	sor.u32 s16, s18  }
0x71: {  	s15 =	sor.u32 s28, s16;
	s16 =	smulhi.u32 $0xAAAAAAAB, s16  }
0x72: {  	s29 =	smulhi.u32 $0xAAAAAAAB, s15;
	_ =	sdelay $0x1  }
0x73: {  	s14 =	smul.u32 $0x300, s14;
	s16 =	sshrl.u32 s16, $0x9;
	s18 =	sshrl.u32 s29, $0x9  }
0x74: {  	s16 =	sand.u32 $0x7, s16;
	s18 =	smul.u32 $0x300, s18  }
0x75: {  	s16 =	smul.u32 $0x60, s16  }
.Ltmp5:
0x76: {  	s15 =	ssub.s32 s15, s18;
	(pc) =	sbr.rel .LBB1_7-.Ltmp5, $4  }
0x77: {  	s14 =	sadd.s32 s4, s14;
	s18 =	sand.u32 $0x7, s15  }
0x78: {  	s14 =	sadd.s32 s16, s14;
	s15 =	sshrl.u32 s15, $0x3;
	s30 =	sshll.u32 s18, $0x12  }
0x79: {  	s14 =	sadd.s32 s15, s14;
	s31 =	sor.u32 $0x800, s30  }
0x7a: {  	[hbm4b:s14+s31] =	stream.strided.scatter [tilespmem:s17], [sflag:$0x2], $0x4000, s8, s31, $0x38;
	[tilespmem:$0x10000] =	vst v63  }
.LBB1_8:
0x7b: {  	_ =	sfence.sel $0x180000  }
0x7c: {  	s2 =	simm.s32 $0x1;
	[bflag:$0x0] =	sbarrier.arrive $0xFFFF  }
0x7d: {  	s31 =	simm.s32 $0x2;
	[sflag:s2] =	ssyncpa.u1 $0x1  }
0x7e: {  	[sflag:s31] =	ssyncpa.u1 $0x1  }
0x7f: {  	p0 =	sne.s32 s0, $0x0;
	_ =	strace $0x90000047  }
0x80: {  	s0 =	sadd.s32 @!p0 $0x100000, s1;
	[bflag:$0x2] =	sbarrier.arrive $0xFFFF  }
0x81: {  	[sflag:s0] =	ssyncadd.tile.s32 @!p0 $0x1;
	_ =	shalt  }
.Lfunc_end1:
_tile_overlayer_lowered:
.L_overlay_start_2:
0x82: {  	(tag) =	ssettag $0x2  }
0x83: {  	s0 =	rddreg [dreg:$0x0];
	s2 =	stileid.u32  }
0x84: {  	s1 =	rddreg [dreg:$0x1];
	p0 =	sne.s32 s2, $0x0  }
0x85: {  	s3 =	rddreg [dreg:$0x2];
	[bflag:$0x3] =	sbarrier.arrive $0xFFFF;
	s2 =	simm.s32 @!p0 $0x1C01  }
0x86: {  	[timem:s3], [sflag:s2] =	dma.local @!p0 [hbm:s0], s1  }
0x87: {  	s0 =	simm.s32 @!p0 $0x1  }
0x88: {  	_ =	swait.ge @!p0 [sflag:s0], s1  }
0x89: {  	s1 =	ssub.s32 @!p0 $0x0, s1;
	[sflag:s0] =	ssyncset.done @!p0 $0x0  }
0x8a: {  	[sflag:s0] =	ssyncadd.s32 @!p0 s1  }
0x8b: {  	[bflag:$0x3] =	sbarrier.arrive $0xFFFF  }
0x8c: {  	_ =	shalt  }

// kernel: sparse-core-data-format-call.cloned.1.call-start
scs
called_computation_lowered:
.L_overlay_start_0:
0x0: {  	s2 =	sld [smem:$0x3FD9]  }
0x1: {  	s3 =	sld [smem:$0x3FFE];
	_ =	sdelay $0x1  }
0x2: {  	s1 =	srdreg.scid  }
0x3: {  	s0 =	sand.u32 $0x1, s1  }
0x4: {  	s18 =	sshll.u32 s0, $0xA;
	s2 =	sadd.s32 s3, s2  }
0x5: {  	s2 =	sadd.s32 s2, s18  }
0x6: {  	[smem:$0x3FC2] =	sst s2  }
0x7: {  	_ = 	snop  }
0x8: {  	s2 =	sld [smem:$0x3FD0];
	(tm) =	ssettm $0x1  }
0x9: {  	s19 =	sld [smem:$0x3FFB];
	_ =	sdelay $0x3  }
0xa: {  	_ =	strace s19  }
0xb: {  	s3 =	sld [smem:$0x3FFC];
	_ =	sdelay $0x3  }
0xc: {  	_ =	strace s3  }
0xd: {  	s3 =	sld [smem:$0x3FFD];
	_ =	sdelay $0x3  }
0xe: {  	_ =	strace s3  }
0xf: {  	_ =	strace $0x8FFFFFFF  }
0x10: {  	s20 =	sld [smem:$0x3FDB];
	_ =	sdelay $0x1  }
0x11: {  	s4 =	simm.s32 $_scs_section_size  }
0x12: {  	s5 =	simm.s32 $_size__tile_overlayer_lowered;
	s6 =	simm.s32 $_tile_overlayer_lowered  }
0x13: {  	s23 =	simm.s32 $0x1BFF;
	s22 =	sshll.u32 s6, $0x1;
	s3 =	sadd.s32 s4, s20  }
0x14: {  	s7 =	simm.s32 $0x0;
	s21 =	sshll.u32 s5, $0x1;
	s5 =	sadd.s32 s22, s3  }
0x15: {  	[timem:s7], [sflag:s23] =	dma.local [hbm:s5], s21  }
0x16: {  	_ =	swait.ge [sflag:s23], s21  }
0x17: {  	s4 =	ssub.s32 $0x0, s21;
	[sflag:s23] =	ssyncset.done $0x0  }
0x18: {  	[sflag:s23] =	ssyncadd.s32 s4;
	_ =	sdelay $0x1  }
0x19: {  	s24 =	simm.s32 $0x1B8B  }
0x1a: {  	_ =	swait.ge [sflag:s24], $0x1  }
0x1b: {  	[sflag:s24] =	ssyncset.done $0x0  }
0x1c: {  	s26 =	simm.s32 $0x1B8E;
	s25 =	sld [smem:$0x3FFE];
	[sflag:s24] =	ssyncadd.s32 $0xFFFFFFFF  }
0x1d: {  	s27 =	simm.s32 $execute0_lowered;
	[smem:$0x3FD2] =	sst s26  }
0x1e: {  	s5 =	sshll.u32 s27, $0x1;
	_ =	strace $0x8000004C;
	[dreg:$0x1] =	wrdreg $0xFFFFFFFF  }
0x1f: {  	s28 =	simm.s32 $_size_execute0_lowered;
	s3 =	sadd.s32 s3, s5;
	[dreg:$0x0] =	wrdreg $0x0  }
0x20: {  	s5 =	sshll.u32 s28, $0x1;
	[dreg:$0x2] =	wrdreg s3  }
0x21: {  	[dreg:$0x3] =	wrdreg s5  }
0x22: {  	[dreg:$0x4] =	wrdreg $0xC0  }
0x23: {  	_ =	task [dreg:s7], $0x5FFFF  }
0x24: {  	[dreg:$0x1] =	wrdreg $0xFFFFFFFF  }
0x25: {  	[dreg:$0x0] =	wrdreg $0x60  }
0x26: {  	[dreg:$0x2] =	wrdreg s25  }
0x27: {  	[dreg:$0x3] =	wrdreg s2  }
0x28: {  	[dreg:$0x4] =	wrdreg $0x9  }
0x29: {  	_ =	task.clear_ibuf [dreg:s7], $0x5FFFF;
	_ =	strace $0x9000004C  }
0x2a: {  	s29 =	simm.s32 $0x9;
	_ =	strace $0x8000004E  }
0x2b: {  	_ =	swait.ge [sflag:s29], $0x1  }
0x2c: {  	[sflag:s29] =	ssyncadd.s32 $0xFFFFFFFF  }
0x2d: {  	_ =	strace $0x9000004E  }
0x2e: {  	_ =	sfence  }
0x2f: {  	s30 =	sld [smem:$0x0];
	_ =	sdelay $0x2  }
0x30: {  	s31 =	sshll.u32 s1, $0xD;
	s1 =	sshrl.u32 s1, $0x2  }
0x31: {  	s3 =	sand.u32 $0x4000, s31;
	s1 =	sadd.s32 s1, s30  }
0x32: {  	s0 =	sor.u32 s3, s0;
	s1 =	sshll.u32 s1, $0x11  }
0x33: {  	s0 =	sor.u32 s1, s0  }
0x34: {  	s0 =	sadd.s32 $0x8F2B, s0  }
0x35: {  	[sflag:s0] =	ssyncadd.remote.s32 $0x1  }
0x36: {  	_ =	sfence.sel $0xFFFF  }
0x37: {  	[dreg:$0x0] =	wrdreg $0xFFFFFFFF;
	(pc) =	sbr.abs _section_cstart, $3  }
0x38: {  	[dreg:$0x1] =	wrdreg $0xFFFFFFFF  }
0x39: {  	_ =	task.clear_ibuf [dreg:s7], $0x2FFFF;
	_ =	strace $0x9FFFFFFF  }
0x3a: {  	(tm) =	ssettm $0x7FFFFFFF  }
0x3b: {  	_ =	shalt  }
tec
execute0_lowered:
.L_overlay_start_1:
0x0: {  	(tag) =	ssettag $0x1  }
0x1: {  	s0 =	srdreg.scid  }
0x2: {  	s1 =	sshll.u32 s0, $0x4  }
0x3: {  	s6 =	rddreg [dreg:$0x0];
	s0 =	stileid.u32;
	s1 =	sand.u32 $0x10, s1  }
0x4: {  	s3 =	rddreg [dreg:$0x1];
	s5 =	simm.s32 $0x1;
	s1 =	sor.u32 s0, s1  }
0x5: {  	s31 =	simm.s32 $0x2;
	s15 =	simm.s32 $0x0;
	s2 =	sshll.u32 s1, $0x3  }
0x6: {  	s8 =	simm.s32 $0x126000;
	s9 =	simm.s32 $0x0;
	s4 =	ssub.s32 $0x620, s2  }
0x7: {  	s14 =	simm.s32 $0x0;
	s16 =	simm.s32 $0x0;
	s30 =	sand.u32 $0xF8, s4  }
0x8: {  	s10 =	simm.s32 $0x0;
	s11 =	simm.s32 $0x0;
	p0 =	sne.s32 s30, $0x0  }
.Ltmp0:
0x9: {  	s7 =	sshrl.u32 s4, $0x8;
	s5 =	simm.s32 @!p0 $0x0;
	(pc) =	sbr.rel .LBB1_1-.Ltmp0, $4  }
0xa: {  	s13 =	simm.s32 $0x0;
	s1 =	rddreg [dreg:$0x2];
	s5 =	sadd.s32 s5, s7  }
0xb: {  	_ =	strace $0x8000004D;
	s4 =	simm.s32 $0x1;
	s5 =	smul.u32 $0x3, s5  }
0xc: {  	s22 =	simm.s32 $0x0;
	s6 =	sadd.s32 $0x26200, s6;
	[sflag:s4] =	ssyncpa.u1 $0x0  }
0xd: {  	s12 =	smov.u32 s2;
	[sflag:s31] =	ssyncpa.u1 $0x0;
	s7 =	sadd.s32 $0x1, s5  }
.LBB1_7:
0xe: {  	s17 =	sadd.s32 $0x100, s10  }
0xf: {  	s14 =	sadd.s32 $0x8, s11;
	s18 =	smov.u32 s11;
	p1 =	sgt.s32 s17, $0x2FF  }
0x10: {  	s18 =	smov.u32 @p1 s14  }
0x11: {  	s20 =	smov.u32 s12;
	s14 =	sadd.s32 $0x100, s12;
	p2 =	sgt.s32 s18, $0x7  }
0x12: {  	s20 =	smov.u32 @p2 s14  }
0x13: {  	s17 =	simm.s32 @p1 $0x0;
	p1 =	sgt.s32 s20, $0x61F  }
0x14: {  	p0 =	slt.u32 s13, $0x2;
	s20 =	smov.u32 @p1 s2;
	p1 =	sne.s32 s13, s7  }
.Ltmp1:
0x15: {  	s19 =	simm.s32 @!p0 $0x2;
	(pc) =	sbr.rel @!p1 .LBB1_8-.Ltmp1, $4  }
0x16: {  	s15 =	smov.u32 s10;
	s16 =	smov.u32 s12;
	_ =	swait.ge @!p0 [sflag:s19], $0x4000  }
0x17: {  	s9 =	sadd.s32 $0x4000, s9;
	[sflag:s19] =	ssyncset.done @!p0 $0x0;
	s10 =	smov.u32 s17  }
0x18: {  	s18 =	simm.s32 @p2 $0x0;
	s14 =	smov.u32 s11;
	[sflag:s19] =	ssyncadd.s32 @!p0 $0xFFFFC000  }
0x19: {  	s11 =	smov.u32 s18;
	s13 =	sadd.s32 $0x1, s13;
	s12 =	smov.u32 s20  }
.LBB1_1:
0x1a: {  	p0 =	sge.u32 s13, s5  }
0x1b: {  	s17 =	sshrl.u32 @!p0 s11, $0x3  }
0x1c: {  	s18 =	sshll.u32 @!p0 s10, $0x3;
	s17 =	smul.u32 @!p0 $0x1800, s17  }
0x1d: {  	s19 =	sshll.u32 @!p0 s11, $0x7;
	s18 =	sand.u32 @!p0 $0xFFFFFC00, s18  }
0x1e: {  	s17 =	sadd.s32 @!p0 s17, s18;
	s18 =	sand.u32 @!p0 $0x380, s19  }
0x1f: {  	s19 =	sand.u32 @!p0 $0x7F, s10;
	s17 =	sor.u32 @!p0 s18, s17  }
0x20: {  	s18 =	sor.u32 @!p0 s19, s17  }
0x21: {  	s19 =	smulhi.u32 @!p0 $0xAAAAAAAB, s18  }
0x22: {  	s17 =	smulhi.u32 @!p0 $0xAAAAAAAB, s17  }
0x23: {  	s19 =	sshrl.u32 @!p0 s19, $0x9  }
0x24: {  	s31 =	sadd.s32 $0xFFFFFFFF, s13;
	s17 =	sshrl.u32 @!p0 s17, $0x9;
	s19 =	smul.u32 @!p0 $0x300, s19  }
0x25: {  	s20 =	sxor.u32 @!p0 $0xFFFFFFFF, s13;
	s21 =	smul.u32 @!p0 $0x300, s12;
	s17 =	sand.u32 @!p0 $0x7, s17  }
0x26: {  	s20 =	sshll.u32 @!p0 s20, $0xE;
	s17 =	smul.u32 @!p0 $0x60, s17;
	s18 =	ssub.s32 @!p0 s18, s19  }
0x27: {  	s19 =	sand.u32 @!p0 $0x4000, s20;
	s20 =	sadd.s32 @!p0 s6, s21;
	s21 =	sand.u32 @!p0 $0x7, s18  }
0x28: {  	s18 =	sshrl.u32 @!p0 s18, $0x3;
	s17 =	sadd.s32 @!p0 s17, s20;
	s20 =	sshll.u32 @!p0 s21, $0x12  }
0x29: {  	s17 =	sadd.s32 @!p0 s18, s17;
	s18 =	sor.u32 @!p0 $0x800, s20;
	s20 =	simm.s32 @!p0 $0x1800  }
0x2a: {  	[tilespmem:s19], [sflag:$0x1] =	stream.strided.gather @!p0 [hbm4b:s17+s18], $0x4000, s20, s18, $0x38;
	[tilespmem:$0x10000] =	vst v63  }
0x2b: {  	p0 =	sge.u32 s31, s5  }
.Ltmp2:
0x2c: {  	_ = 	snop;
	(pc) =	sbr.rel @p0 .LBB1_7-.Ltmp2, $1  }
0x2d: {  	_ =	sdelay $0x3  }
0x2e: {  	s17 =	sshll.u32 s9, $0x2;
	_ =	swait.ge [sflag:s4], $0x4000;
	s31 =	sshll.u32 s13, $0xE  }
0x2f: {  	p0 =	por $0x0, $0x0;
	s23 =	simm.s32 $0x0;
	s24 =	simm.s32 $0x0  }
0x30: {  	s17 =	sand.u32 $0x10000, s17;
	[sflag:s4] =	ssyncset.done $0x0;
	s20 =	sand.u32 $0x4000, s31  }
0x31: {  	s21 =	sshrl.u32 s17, $0x2;
	[sflag:s4] =	ssyncadd.s32 $0xFFFFC000;
	s17 =	sor.u32 $0x8000, s20  }
0x32: {  	s18 =	sor.u32 $0x40, s21;
	s19 =	sor.u32 $0x8410, s21;
	s21 =	sadd.s32 $0x8400, s21  }
.LBB1_3:
0x33: {  	v1 =	vld [tilespmem:s18+$0xFFFFFFD0]  }
0x34: {  	v2 =	vld [tilespmem:s18+$0x430]  }
0x35: {  	s25 =	sshll.u32 s24, $0xB;
	v4 =	vld [tilespmem:s18+$0xFFFFFFE0]  }
0x36: {  	v7 =	vld [tilespmem:s18+$0xFFFFFFF0];
	v0 =	vmov s25  }
0x37: {  	v8 =	vld [tilespmem:s18+$0x0]  }
0x38: {  	s31 =	sand.u32 $0x300, s22;
	v9 =	vld [tilespmem:s18+$0x10]  }
0x39: {  	s26 =	sand.u32 $0x80, s22;
	v10 =	vld [tilespmem:s18+$0x20];
	s25 =	sadd.s32 s31, s20  }
0x3a: {  	v11 =	vld [tilespmem:s18+$0x30];
	s25 =	sadd.s32 s26, s25;
	s26 =	simm.s32 $0x1;
	[tilespmem:s19+$0x60] =	vst v2  }
0x3b: {  	s31 =	sshll.u32 s23, $0x2;
	s26 =	simm.s32 @!p0 $0x0;
	[tilespmem:s19+$0xFFFFFC00] =	vst v1;
	v3 =	vld.idx.msk [tilespmem:v0+s25+$0x400 ss:$0x1], $0xffff  }
0x3c: {  	v6 =	vld [tilespmem:s18+$0x3D0];
	s26 =	sshll.u32 s26, $0x9;
	[tilespmem:s19+$0xFFFFFC10] =	vst v4;
	s25 =	sand.u32 $0xFFFFFC00, s31  }
0x3d: {  	v5 =	vld [tilespmem:s18+$0x3E0];
	[tilespmem:s19+$0xFFFFFC20] =	vst v7;
	s25 =	sor.u32 s26, s25  }
0x3e: {  	[tilespmem:s19+$0xFFFFFC30] =	vst v8;
	v4 =	vld [tilespmem:s18+$0x400];
	s25 =	sshrl.u32 s25, $0x2  }
0x3f: {  	[tilespmem:s19+$0xFFFFFC40] =	vst v9;
	v1 =	vld [tilespmem:s18+$0x410];
	s25 =	sadd.s32 s25, s21  }
0x40: {  	[tilespmem:s25+$0x0] =	vst v3;
	v3 =	vld [tilespmem:s18+$0x3F0]  }
0x41: {  	s29 =	simm.s32 $0x80;
	s28 =	simm.s32 $0x100;
	[tilespmem:s19+$0xFFFFFC50] =	vst v10;
	v2 =	vld [tilespmem:s18+$0x420]  }
0x42: {  	s27 =	smov.u32 s19;
	s30 =	sand.u32 $0x300, s29;
	v7 =	vld [tilespmem:s18+$0xFFFFFFC0];
	[tilespmem:s19+$0xFFFFFC60] =	vst v11;
	s26 =	sadd.s32 $0x80, s18  }
.LBB1_4:
0x43: {  	p1 =	sne.s32 s28, $0x380;
	v8 =	vld [tilespmem:s26+$0xFFFFFFD0];
	s29 =	sand.u32 $0x80, s29;
	s30 =	sadd.s32 s30, s20;
	[tilespmem:s27+$0x0] =	vst v6  }
0x44: {  	s30 =	sadd.s32 s29, s30;
	v6 =	vld [tilespmem:s26+$0x430];
	[tilespmem:s27+$0x10] =	vst v5;
	s29 =	smov.u32 s28  }
0x45: {  	v5 =	vld.idx.msk [tilespmem:v0+s30+$0x400 ss:$0x1], $0xffff;
	[tilespmem:s27+$0x20] =	vst v3  }
0x46: {  	v3 =	vld [tilespmem:s26+$0xFFFFFFE0];
	[tilespmem:s27+$0x30] =	vst v4  }
0x47: {  	v4 =	vld [tilespmem:s26+$0xFFFFFFF0];
	[tilespmem:s27+$0xFFFFFBF0] =	vst v7  }
0x48: {  	v7 =	vld [tilespmem:s26+$0x0];
	[tilespmem:s27+$0x40] =	vst v1  }
0x49: {  	v1 =	vld [tilespmem:s26+$0x10];
	[tilespmem:s27+$0x50] =	vst v2;
	s27 =	sadd.s32 $0x800, s27  }
0x4a: {  	s25 =	sadd.s32 $0x800, s25;
	v2 =	vld [tilespmem:s26+$0x20];
	[tilespmem:s27+$0x60] =	vst v6  }
0x4b: {  	v9 =	vld [tilespmem:s26+$0x30];
	[tilespmem:s25+$0x0] =	vst v5  }
0x4c: {  	[tilespmem:s27+$0xFFFFFC00] =	vst v8;
	v6 =	vld [tilespmem:s26+$0x3D0]  }
0x4d: {  	[tilespmem:s27+$0xFFFFFC10] =	vst v3;
	v5 =	vld [tilespmem:s26+$0x3E0]  }
.Ltmp3:
0x4e: {  	[tilespmem:s27+$0xFFFFFC20] =	vst v4;
	v3 =	vld [tilespmem:s26+$0x3F0];
	(pc) =	sbr.rel @p1 .LBB1_4-.Ltmp3, $4  }
0x4f: {  	[tilespmem:s27+$0xFFFFFC30] =	vst v7;
	v4 =	vld [tilespmem:s26+$0x400]  }
0x50: {  	[tilespmem:s27+$0xFFFFFC40] =	vst v1;
	v1 =	vld [tilespmem:s26+$0x410]  }
0x51: {  	[tilespmem:s27+$0xFFFFFC50] =	vst v2;
	v2 =	vld [tilespmem:s26+$0x420]  }
0x52: {  	s28 =	sadd.s32 $0x80, s28;
	s30 =	sand.u32 $0x300, s29;
	v7 =	vld [tilespmem:s26+$0xFFFFFFC0];
	[tilespmem:s27+$0xFFFFFC60] =	vst v9;
	s26 =	sadd.s32 $0x80, s26  }
0x53: {  	[tilespmem:s27+$0x0] =	vst v6  }
0x54: {  	[tilespmem:s27+$0x10] =	vst v5  }
0x55: {  	v49 =	vld [tilespmem:s26+$0x430];
	[tilespmem:s27+$0x20] =	vst v3  }
0x56: {  	v50 =	vld [tilespmem:s26+$0xFFFFFFD0];
	[tilespmem:s27+$0x30] =	vst v4  }
0x57: {  	v51 =	vld [tilespmem:s26+$0xFFFFFFE0];
	[tilespmem:s27+$0x40] =	vst v1  }
0x58: {  	v52 =	vld [tilespmem:s26+$0xFFFFFFF0];
	[tilespmem:s27+$0x50] =	vst v2  }
0x59: {  	s31 =	sadd.s32 $0x800, s27;
	v53 =	vld [tilespmem:s26+$0x0];
	[tilespmem:s27+$0xFFFFFBF0] =	vst v7  }
0x5a: {  	v54 =	vld [tilespmem:s26+$0x10];
	[tilespmem:s31+$0x60] =	vst v49  }
0x5b: {  	v55 =	vld [tilespmem:s26+$0x20];
	[tilespmem:s31+$0xFFFFFC00] =	vst v50  }
0x5c: {  	v56 =	vld [tilespmem:s26+$0x30];
	[tilespmem:s31+$0xFFFFFC10] =	vst v51  }
0x5d: {  	v57 =	vld [tilespmem:s26+$0x3D0];
	[tilespmem:s31+$0xFFFFFC20] =	vst v52  }
0x5e: {  	v58 =	vld [tilespmem:s26+$0x3E0];
	[tilespmem:s31+$0xFFFFFC30] =	vst v53  }
0x5f: {  	v59 =	vld [tilespmem:s26+$0x3F0];
	[tilespmem:s31+$0xFFFFFC40] =	vst v54  }
0x60: {  	v60 =	vld [tilespmem:s26+$0x400];
	[tilespmem:s31+$0xFFFFFC50] =	vst v55  }
0x61: {  	v61 =	vld [tilespmem:s26+$0xFFFFFFC0];
	[tilespmem:s31+$0xFFFFFC60] =	vst v56  }
0x62: {  	s28 =	sand.u32 $0x80, s29;
	s30 =	sadd.s32 s30, s20;
	v62 =	vld [tilespmem:s26+$0x410];
	[tilespmem:s31+$0x0] =	vst v57  }
0x63: {  	v63 =	vld [tilespmem:s26+$0x420];
	s24 =	sadd.s32 $0x1, s24;
	s28 =	sadd.s32 s28, s30;
	[tilespmem:s31+$0x10] =	vst v58  }
0x64: {  	p1 =	sne.s32 s24, $0x8;
	v0 =	vld.idx.msk [tilespmem:v0+s28+$0x400 ss:$0x1], $0xffff;
	[tilespmem:s31+$0x20] =	vst v59  }
.Ltmp4:
0x65: {  	[tilespmem:s31+$0x30] =	vst v60;
	(pc) =	sbr.rel @p1 .LBB1_3-.Ltmp4, $4  }
0x66: {  	[tilespmem:s31+$0xFFFFFBF0] =	vst v61  }
0x67: {  	[tilespmem:s31+$0x40] =	vst v62  }
0x68: {  	s25 =	sadd.s32 $0x800, s25;
	s18 =	sadd.s32 $0x800, s18;
	[tilespmem:s31+$0x50] =	vst v63  }
0x69: {  	s23 =	sadd.s32 $0x80, s23;
	p0 =	por !p0, !p0;
	s19 =	sadd.s32 $0x80, s19;
	[tilespmem:s25+$0x0] =	vst v0  }
0x6a: {  	s18 =	sshrl.u32 s16, $0x3  }
0x6b: {  	s19 =	sshll.u32 s15, $0x3;
	s18 =	smul.u32 $0x1800, s18  }
0x6c: {  	s25 =	sshll.u32 s16, $0x7;
	s19 =	sand.u32 $0xFFFFFC00, s19  }
0x6d: {  	s16 =	sand.u32 $0x380, s25;
	s18 =	sadd.s32 s18, s19  }
0x6e: {  	s16 =	sor.u32 s16, s18  }
0x6f: {  	s18 =	smulhi.u32 $0xAAAAAAAB, s16;
	_ =	sdelay $0x1  }
0x70: {  	s18 =	sshrl.u32 s18, $0x9  }
0x71: {  	s26 =	sand.u32 $0x7F, s15;
	s27 =	smulhi.u32 $0x539783, s18  }
0x72: {  	s15 =	sor.u32 s26, s16  }
0x73: {  	s28 =	smulhi.u32 $0xAAAAAAAB, s15;
	s16 =	sshrl.u32 s27, $0x1  }
0x74: {  	s16 =	smul.u32 $0x620, s16  }
0x75: {  	s14 =	smul.u32 $0x24C00, s14;
	s19 =	sshrl.u32 s28, $0x9  }
0x76: {  	s19 =	smul.u32 $0x300, s19;
	s16 =	ssub.s32 s18, s16  }
0x77: {  	s16 =	smul.u32 $0x60, s16  }
.Ltmp5:
0x78: {  	s15 =	ssub.s32 s15, s19;
	(pc) =	sbr.rel .LBB1_7-.Ltmp5, $4  }
0x79: {  	s14 =	sadd.s32 s3, s14;
	s29 =	sand.u32 $0x7, s15  }
0x7a: {  	s15 =	sshrl.u32 s15, $0x3;
	s30 =	sshll.u32 s29, $0x12;
	s14 =	sadd.s32 s16, s14  }
0x7b: {  	s31 =	sor.u32 $0x800, s30;
	s14 =	sadd.s32 s15, s14  }
0x7c: {  	[hbm4b:s14+s31] =	stream.strided.scatter [tilespmem:s17], [sflag:$0x2], $0x4000, s8, s31, $0x38;
	[tilespmem:$0x10000] =	vst v63  }
.LBB1_8:
0x7d: {  	_ =	sfence.sel $0x180000  }
0x7e: {  	s2 =	simm.s32 $0x1;
	[bflag:$0x0] =	sbarrier.arrive $0xFFFF  }
0x7f: {  	s31 =	simm.s32 $0x2;
	[sflag:s2] =	ssyncpa.u1 $0x1  }
0x80: {  	[sflag:s31] =	ssyncpa.u1 $0x1  }
0x81: {  	p0 =	sne.s32 s0, $0x0;
	_ =	strace $0x9000004D  }
0x82: {  	s0 =	sadd.s32 @!p0 $0x100000, s1;
	[bflag:$0x2] =	sbarrier.arrive $0xFFFF  }
0x83: {  	[sflag:s0] =	ssyncadd.tile.s32 @!p0 $0x1;
	_ =	shalt  }
.Lfunc_end1:
_tile_overlayer_lowered:
.L_overlay_start_2:
0x84: {  	(tag) =	ssettag $0x2  }
0x85: {  	s0 =	rddreg [dreg:$0x0];
	s2 =	stileid.u32  }
0x86: {  	s1 =	rddreg [dreg:$0x1];
	p0 =	sne.s32 s2, $0x0  }
0x87: {  	s3 =	rddreg [dreg:$0x2];
	[bflag:$0x3] =	sbarrier.arrive $0xFFFF;
	s2 =	simm.s32 @!p0 $0x1C01  }
0x88: {  	[timem:s3], [sflag:s2] =	dma.local @!p0 [hbm:s0], s1  }
0x89: {  	s0 =	simm.s32 @!p0 $0x1  }
0x8a: {  	_ =	swait.ge @!p0 [sflag:s0], s1  }
0x8b: {  	s1 =	ssub.s32 @!p0 $0x0, s1;
	[sflag:s0] =	ssyncset.done @!p0 $0x0  }
0x8c: {  	[sflag:s0] =	ssyncadd.s32 @!p0 s1  }
0x8d: {  	[bflag:$0x3] =	sbarrier.arrive $0xFFFF  }
0x8e: {  	_ =	shalt  }

</sc_bundles>
